<compile_context>
chip_gen: v7x
topology: tpu7x:2x2x1
jax: 0.10.2.dev20260603
libtpu: 0.0.44.dev20260713+nightly
codegen_flags: <defaults>
</compile_context>

<pallas_src>
import functools
import math

import jax
import jax.numpy as jnp
from jax import lax
from jax.experimental import pallas as pl
from jax.experimental.pallas import tpu as pltpu
from jax.experimental.pallas import tpu_sc as plsc

N = 4096
D = 128
NB = 8
R_MAX = 5.0
CI = 8
NSTEPS_A = N // CI
K = 112
NSTEPS_D = K // CI
SENT = 1e6

NWORKERS = 32
ROWS_PER_W = N // NWORKERS
RB = 16


def _dist_kernel(gm_ref, fcols_ref, frT_ref, ex_ref, out_ref, cnt_ref):
    fi = fcols_ref[...]
    d0 = fi[:, 0:1] - frT_ref[0:1, :]
    d1 = fi[:, 1:2] - frT_ref[1:2, :]
    d2 = fi[:, 2:3] - frT_ref[2:3, :]
    d0 = d0 - jnp.round(d0)
    d1 = d1 - jnp.round(d1)
    d2 = d2 - jnp.round(d2)
    db0 = d0.astype(jnp.bfloat16).astype(jnp.float32)
    db1 = d1.astype(jnp.bfloat16).astype(jnp.float32)
    db2 = d2.astype(jnp.bfloat16).astype(jnp.float32)
    v0 = db0 * gm_ref[0, 0] + db1 * gm_ref[0, 3] + db2 * gm_ref[0, 6]
    v1 = db0 * gm_ref[0, 1] + db1 * gm_ref[0, 4] + db2 * gm_ref[0, 7]
    v2 = db0 * gm_ref[0, 2] + db1 * gm_ref[0, 5] + db2 * gm_ref[0, 8]
    r2 = v0 * v0 + v1 * v1 + v2 * v2
    jota = lax.broadcasted_iota(jnp.int32, (1, N), 1)
    rowi = (lax.broadcasted_iota(jnp.int32, (CI, 1), 0)
            + pl.program_id(0) * CI)
    r2p = jnp.where(jota == rowi, SENT, r2)
    out_ref[...] = r2p
    mask01 = jnp.where(r2p < R_MAX * R_MAX, 1.0, 0.0)
    cnt_ref[...] = jnp.dot(mask01, ex_ref[...],
                           preferred_element_type=jnp.float32
                           ).astype(jnp.int32)


def _sc_compact(r2_hbm, cnt_hbm, spec_hbm, r2c_hbm, spc_hbm,
                rows_v, cnt_w, spec_v, cb_r2, cb_sp, clist, blist, sbuf,
                t_r2, t_sp):
    wid = lax.axis_index("s") * 2 + lax.axis_index("c")
    j0 = wid * ROWS_PER_W
    pltpu.sync_copy(spec_hbm, spec_v)
    pltpu.sync_copy(cnt_hbm.at[wid], cnt_w)

    def bc15(x):
        l15 = jnp.full((16,), 15, jnp.int32)
        return lax.gather(
            x, l15[:, None],
            lax.GatherDimensionNumbers(offset_dims=(),
                                       collapsed_slice_dims=(0,),
                                       start_index_map=(0,)),
            (1,), mode=lax.GatherScatterMode.PROMISE_IN_BOUNDS)

    def do_row(col, _):
        lanes = lax.iota(jnp.int32, 16)
        sentv = jnp.full((16,), SENT, jnp.float32)
        onev = jnp.full((16,), 1, jnp.int32)
        kv = jnp.full((16,), K, jnp.int32)
        c25 = jnp.full((16,), R_MAX * R_MAX, jnp.float32)
        c256 = jnp.full((16,), 256, jnp.int32)
        c255 = jnp.full((16,), 255, jnp.int32)
        c512 = jnp.full((16,), 512, jnp.int32)
        c511 = jnp.full((16,), 511, jnp.int32)
        j = j0 + col
        pltpu.sync_copy(r2_hbm.at[j], rows_v)
        for t in range(9):
            cb_r2[pl.ds(16 * t, 16)] = sentv
            cb_sp[pl.ds(16 * t, 16)] = jnp.zeros((16,), jnp.int32)
        carry = jnp.zeros((16,), jnp.int32)
        nzc = jnp.zeros((16,), jnp.int32)
        for t in range(16):
            cv = cnt_w[pl.ds(col * 256 + 16 * t, 16)]
            ps = plsc.cumsum(cv)
            basev = carry + ps - cv
            carry = bc15(carry + ps)
            nz = jnp.minimum(cv, onev)
            nps = plsc.cumsum(nz)
            lpos = nzc + nps
            idx2 = (lpos - c512) * nz + c511
            cidv = lanes + jnp.full((16,), 16 * t, jnp.int32)
            plsc.store_scatter(clist, [idx2], cidv)
            plsc.store_scatter(blist, [idx2], jnp.minimum(basev, kv))
            nzc = bc15(nzc + nps)
        nnz = nzc[0]
        def do_chunk(k, _):
            c = clist[pl.ds(k, 16)][0]
            b = blist[pl.ds(k, 16)][0]
            vals = rows_v[pl.ds(16 * c, 16)]
            hit = jnp.maximum(jnp.sign(c25 - vals), 0.0).astype(jnp.int32)
            pos = plsc.cumsum(hit)
            bv = jnp.full((16,), b, jnp.int32)
            idx = (bv + pos - c256) * hit + c255
            plsc.store_scatter(cb_r2, [idx], vals)
            spv = spec_v[pl.ds(16 * c, 16)]
            plsc.store_scatter(cb_sp, [idx], spv)
            return 0

        lax.fori_loop(0, nnz, do_chunk, 0)
        colv = jnp.full((16,), col, jnp.int32)
        for t in range(K // 16):
            flat = (lanes + jnp.full((16,), 16 * t, jnp.int32)) * ROWS_PER_W \
                + colv
            plsc.store_scatter(t_r2, [flat], cb_r2[pl.ds(16 * t, 16)])
            plsc.store_scatter(t_sp, [flat], cb_sp[pl.ds(16 * t, 16)])
        return 0

    lax.fori_loop(0, ROWS_PER_W, do_row, 0)
    pltpu.sync_copy(t_r2, r2c_hbm.at[wid])
    pltpu.sync_copy(t_sp, spc_hbm.at[wid])


@functools.cache
def _get_compact_call():
    return pl.kernel(
        _sc_compact,
        out_type=(
            jax.ShapeDtypeStruct((NWORKERS, K * ROWS_PER_W), jnp.float32),
            jax.ShapeDtypeStruct((NWORKERS, K * ROWS_PER_W), jnp.int32)),
        mesh=plsc.VectorSubcoreMesh(core_axis_name="c", subcore_axis_name="s"),
        compiler_params=pltpu.CompilerParams(needs_layout_passes=False),
        scratch_types=[
            pltpu.VMEM((N,), jnp.float32),
            pltpu.VMEM((ROWS_PER_W * 256,), jnp.int32),
            pltpu.VMEM((N,), jnp.int32),
            pltpu.VMEM((256,), jnp.float32),
            pltpu.VMEM((256,), jnp.int32),
            pltpu.VMEM((512,), jnp.int32),
            pltpu.VMEM((512,), jnp.int32),
            pltpu.VMEM((16,), jnp.int32),
            pltpu.VMEM((K * ROWS_PER_W,), jnp.float32),
            pltpu.VMEM((K * ROWS_PER_W,), jnp.int32),
        ],
    )


def _msg_kernel(r2c_ref, spc_ref, wrT_ref, bcol_ref, woT_ref, ett_ref,
                out_ref, acc_ref):
    step = pl.program_id(0)

    @pl.when(step == 0)
    def _init():
        acc_ref[...] = jnp.zeros_like(acc_ref)

    r2 = r2c_ref[...]
    r2s = jnp.maximum(r2, 1e-24)
    inv_r = lax.rsqrt(r2s)
    inv_r = inv_r * (1.5 - 0.5 * r2s * inv_r * inv_r)
    r = r2s * inv_r
    x = r * (1.0 / R_MAX)
    x2 = x * x
    x4 = x2 * x2
    x6 = x4 * x2
    env = 1.0 - x6 * (28.0 - x * (48.0 - 21.0 * x))
    pref = math.sqrt(2.0 / R_MAX)
    amp = jnp.where(x < 1.0, env, 0.0) * (pref * inv_r)
    theta = r * (math.pi / R_MAX)
    spc = spc_ref[...]

    nvec = lax.broadcasted_iota(jnp.int32, (NB, 1), 0).astype(jnp.float32) + 1.0
    iota16 = lax.broadcasted_iota(jnp.int32, (16, 1), 0)
    wrT = wrT_ref[...]
    bcol = bcol_ref[...]
    ett = ett_ref[...]

    for s in range(CI):
        m = r2[s:s + 1, :] < R_MAX * R_MAX
        rbT = jnp.sin(nvec * theta[s:s + 1, :]) * amp[s:s + 1, :]
        z = jnp.dot(wrT, rbT, preferred_element_type=jnp.float32) + bcol
        sil = z * jax.nn.sigmoid(z)
        oh = (spc[s:s + 1, :] == iota16).astype(jnp.float32)
        hT_s = jnp.dot(ett, oh, preferred_element_type=jnp.float32,
                       precision=lax.Precision.HIGHEST)
        acc_ref[...] += jnp.where(m, hT_s, 0.0) * sil

    @pl.when(step == NSTEPS_D - 1)
    def _epilogue():
        agg = acc_ref[...]
        silu_agg = agg * jax.nn.sigmoid(agg)
        e = jnp.dot(woT_ref[...], silu_agg, preferred_element_type=jnp.float32)
        out_ref[...] = jnp.sum(e, axis=1, keepdims=True)


@jax.jit
def kernel(positions, boxVectors, species, embed_table, W_r, b_r, W_out):
    pos = positions * 10.0
    box = boxVectors.astype(jnp.float32) * 10.0
    inv_box = jnp.linalg.inv(box)
    frac = pos @ inv_box
    boxb = box.astype(jnp.bfloat16).astype(jnp.float32)
    gm = jnp.pad(boxb.reshape(1, 9), ((0, 0), (0, 7)))
    fcols = jnp.pad(frac, ((0, 0), (0, 125)))
    frT = jnp.pad(frac.T, ((0, 5), (0, 0)))
    spec32 = species.astype(jnp.int32)
    wrT = W_r.T
    bcol = b_r.reshape(D, 1)
    woT = W_out.T
    ett = jnp.pad(embed_table.T, ((0, 0), (0, 6)))
    iota_n = jnp.arange(N, dtype=jnp.int32)
    iota_c = jnp.arange(N // 16, dtype=jnp.int32)
    expander = (iota_n[:, None] // 16 == iota_c[None, :]).astype(jnp.float32)

    r2d, cnts = pl.pallas_call(
        _dist_kernel,
        grid=(NSTEPS_A,),
        in_specs=[
            pl.BlockSpec(memory_space=pltpu.SMEM),
            pl.BlockSpec((CI, 128), lambda i: (i, 0)),
            pl.BlockSpec((8, N), lambda i: (0, 0)),
            pl.BlockSpec((N, N // 16), lambda i: (0, 0)),
        ],
        out_specs=(pl.BlockSpec((CI, N), lambda i: (i, 0)),
                   pl.BlockSpec((CI, N // 16), lambda i: (i, 0))),
        out_shape=(jax.ShapeDtypeStruct((N, N), jnp.float32),
                   jax.ShapeDtypeStruct((N, N // 16), jnp.int32)),
        compiler_params=pltpu.CompilerParams(
            dimension_semantics=("arbitrary",)),
    )(gm, fcols, frT, expander)

    cnts_w = cnts.reshape(NWORKERS, ROWS_PER_W * (N // 16))
    r2c_w, spc_w = _get_compact_call()(r2d, cnts_w, spec32)
    r2c = r2c_w.reshape(NWORKERS, K, ROWS_PER_W).transpose(1, 0, 2).reshape(K, N)
    spc = spc_w.reshape(NWORKERS, K, ROWS_PER_W).transpose(1, 0, 2).reshape(K, N)

    out = pl.pallas_call(
        _msg_kernel,
        grid=(NSTEPS_D,),
        in_specs=[
            pl.BlockSpec((CI, N), lambda i: (i, 0)),
            pl.BlockSpec((CI, N), lambda i: (i, 0)),
            pl.BlockSpec((D, NB), lambda i: (0, 0)),
            pl.BlockSpec((D, 1), lambda i: (0, 0)),
            pl.BlockSpec((1, D), lambda i: (0, 0)),
            pl.BlockSpec((D, 16), lambda i: (0, 0)),
        ],
        out_specs=pl.BlockSpec((1, 1), lambda i: (0, 0)),
        out_shape=jax.ShapeDtypeStruct((1, 1), jnp.float32),
        scratch_shapes=[pltpu.VMEM((D, N), jnp.float32)],
        compiler_params=pltpu.CompilerParams(
            dimension_semantics=("arbitrary",)),
    )(r2c, spc, wrT, bcol, woT, ett)
    return out.reshape(1)

# --- scband reference (transcript-rebuilt; emitter-appended) ---
"""Pipeline reference for scband-mace-openmm-59193239274052 (READ-ONLY COPY).

The authoritative reference and input builder live on the scoring server;
editing this copy changes nothing except your own understanding.
"""

import jax, jax.numpy as jnp
import numpy as np

N = 4096
D = 128
NB = 8
NSPECIES = 10
R_MAX = 5.0
BOX_NM = 4.0


def setup_inputs(seed: int = 0) -> dict:
    key = jax.random.key(seed)
    k1, k2, k3, k4, k5 = jax.random.split(key, 5)
    positions = jax.random.uniform(k1, (N, 3), dtype=jnp.float32) * BOX_NM  # nm, OpenMM units
    boxVectors = jnp.eye(3, dtype=jnp.float32) * BOX_NM  # nm
    species = jax.random.randint(k2, (N,), 0, NSPECIES)
    embed_table = jax.random.normal(k3, (NSPECIES, D), dtype=jnp.float32) * 0.1
    W_r = jax.random.normal(k4, (NB, D), dtype=jnp.float32) * 0.1
    b_r = jnp.zeros((D,), dtype=jnp.float32)
    W_out = jax.random.normal(k5, (D, 1), dtype=jnp.float32) * 0.1
    return {"positions": positions, "boxVectors": boxVectors, "species": species,
            "embed_table": embed_table, "W_r": W_r, "b_r": b_r, "W_out": W_out}


def _cutoff_env(r, r_max):
    p = 6.0
    x = r / r_max
    env = 1.0 - ((p + 1.0) * (p + 2.0) / 2.0) * x ** p + p * (p + 2.0) * x ** (p + 1.0) - (p * (p + 1.0) / 2.0) * x ** (p + 2.0)
    return jnp.where(x < 1.0, env, 0.0)


def _bessel(r, r_max, nb):
    n = jnp.arange(1, nb + 1, dtype=jnp.float32)
    pref = jnp.sqrt(2.0 / r_max)
    return pref * jnp.sin(n[None, :] * jnp.pi * r[:, None] / r_max) / r[:, None]


def reference(positions, boxVectors, species, embed_table, W_r, b_r, W_out):
    # unit conversion nm -> Angstrom, as in MACE_openmm.forward
    pos = positions * 10.0
    box = boxVectors.astype(jnp.float32) * 10.0
    # N^2 periodic neighborlist (torch_nl_n2 equivalent, minimum-image)
    inv_box = jnp.linalg.inv(box)
    frac = pos @ inv_box
    h = embed_table[species]
    idx = jnp.arange(N)

    def body(i, agg):
        d = frac[i][None, :] - frac
        d = d - jnp.round(d)
        vec = d @ box
        r2 = jnp.sum(vec * vec, axis=-1)
        m = (r2 < R_MAX * R_MAX) & (idx != i)
        r = jnp.sqrt(r2)
        rb = _bessel(r, R_MAX, NB) * _cutoff_env(r, R_MAX)[:, None]
        radial = jax.nn.silu(rb @ W_r + b_r)
        msgs = jnp.where(m[:, None], h[i] * radial, 0.0)
        return agg + msgs

    agg = jax.lax.fori_loop(0, N, body, jnp.zeros((N, D), dtype=jnp.float32))
    node_e = jax.nn.silu(agg) @ W_out
    energy = jnp.sum(node_e).reshape(1)
    return energy

if __name__ == "__main__":
    import jax
    _d = setup_inputs()
    print(jax.jit(kernel)(*tuple(_d.values())))

</pallas_src>

<mosaic_0001>
#map = affine_map<(d0, d1) -> (0, 0)>
#map1 = affine_map<(d0, d1) -> (0)>
module attributes {stable_mosaic.version = 14 : i64} {
  func.func @_sc_compact(%arg0: i32, %arg1: i32, %arg2: memref<4096x4096xf32, #tpu.memory_space<hbm>>, %arg3: memref<32x32768xi32, #tpu.memory_space<hbm>>, %arg4: memref<4096xi32, #tpu.memory_space<hbm>>, %arg5: memref<32x14336xf32, #tpu.memory_space<hbm>>, %arg6: memref<32x14336xi32, #tpu.memory_space<hbm>>, %arg7: memref<4096xf32, #tpu.memory_space<vmem>>, %arg8: memref<32768xi32, #tpu.memory_space<vmem>>, %arg9: memref<4096xi32, #tpu.memory_space<vmem>>, %arg10: memref<256xf32, #tpu.memory_space<vmem>>, %arg11: memref<256xi32, #tpu.memory_space<vmem>>, %arg12: memref<512xi32, #tpu.memory_space<vmem>>, %arg13: memref<512xi32, #tpu.memory_space<vmem>>, %arg14: memref<16xi32, #tpu.memory_space<vmem>>, %arg15: memref<14336xf32, #tpu.memory_space<vmem>>, %arg16: memref<14336xi32, #tpu.memory_space<vmem>>) attributes {dimension_semantics = [#tpu.dimension_semantics<core_parallel>, #tpu.dimension_semantics<subcore_parallel>], iteration_bounds = array<i64: 2, 16>, scalar_prefetch = 0 : i64, scratch_operands = 10 : i64, tpu.core_type = #tpu.core_type<sc_vector_subcore>, window_params = [{transform_indices = #map}, {transform_indices = #map}, {transform_indices = #map1}, {transform_indices = #map}, {transform_indices = #map}]} {
    %mul3A = arith.constant 2 : i32
    %mul3A_0 = arith.muli %arg1, %mul3A : i32
    %add3A = arith.addi %mul3A_0, %arg0 : i32
    %mul3A_1 = arith.constant 128 : i32
    %mul3A_2 = arith.muli %add3A, %mul3A_1 : i32
    "tpu.region"() ({
      %run_scoped3A = tpu.sem_alloc : memref<!tpu.dma_semaphore, #tpu.memory_space<semaphore_mem>>
      tpu.enqueue_dma source(%arg4 : memref<4096xi32, #tpu.memory_space<hbm>>) target(%arg9 : memref<4096xi32, #tpu.memory_space<vmem>>) target_semaphore(%run_scoped3A : memref<!tpu.dma_semaphore, #tpu.memory_space<semaphore_mem>>)
      tpu.wait_dma2 semaphore(%run_scoped3A : memref<!tpu.dma_semaphore, #tpu.memory_space<semaphore_mem>>) src(%arg4 : memref<4096xi32, #tpu.memory_space<hbm>>) dst(%arg9 : memref<4096xi32, #tpu.memory_space<vmem>>)
      tpu.yield
    }) : () -> ()
    "tpu.region"() ({
      %run_scoped3A = tpu.sem_alloc : memref<!tpu.dma_semaphore, #tpu.memory_space<semaphore_mem>>
      %dma_start3A = arith.constant 0 : i32
      %dma_start3A_9 = tpu.memref_slice %arg3[%add3A, %dma_start3A] : memref<32x32768xi32, #tpu.memory_space<hbm>> -> memref<1x32768xi32, #tpu.memory_space<hbm>>
      %dma_start3A_10 = tpu.memref_squeeze %dma_start3A_9 : memref<1x32768xi32, #tpu.memory_space<hbm>> -> memref<32768xi32, #tpu.memory_space<hbm>>
      %dma_start3A_11 = arith.constant 0 : i32
      %dma_start3A_12 = tpu.memref_slice %arg3[%add3A, %dma_start3A_11] : memref<32x32768xi32, #tpu.memory_space<hbm>> -> memref<1x32768xi32, #tpu.memory_space<hbm>>
      %dma_start3A_13 = tpu.memref_squeeze %dma_start3A_12 : memref<1x32768xi32, #tpu.memory_space<hbm>> -> memref<32768xi32, #tpu.memory_space<hbm>>
      tpu.enqueue_dma source(%dma_start3A_13 : memref<32768xi32, #tpu.memory_space<hbm>>) target(%arg8 : memref<32768xi32, #tpu.memory_space<vmem>>) target_semaphore(%run_scoped3A : memref<!tpu.dma_semaphore, #tpu.memory_space<semaphore_mem>>)
      %dma_wait3A = arith.constant 0 : i32
      %dma_wait3A_14 = tpu.memref_slice %arg3[%add3A, %dma_wait3A] : memref<32x32768xi32, #tpu.memory_space<hbm>> -> memref<1x32768xi32, #tpu.memory_space<hbm>>
      %dma_wait3A_15 = tpu.memref_squeeze %dma_wait3A_14 : memref<1x32768xi32, #tpu.memory_space<hbm>> -> memref<32768xi32, #tpu.memory_space<hbm>>
      %dma_wait3A_16 = arith.constant 0 : i32
      %dma_wait3A_17 = tpu.memref_slice %arg3[%add3A, %dma_wait3A_16] : memref<32x32768xi32, #tpu.memory_space<hbm>> -> memref<1x32768xi32, #tpu.memory_space<hbm>>
      %dma_wait3A_18 = tpu.memref_squeeze %dma_wait3A_17 : memref<1x32768xi32, #tpu.memory_space<hbm>> -> memref<32768xi32, #tpu.memory_space<hbm>>
      tpu.wait_dma2 semaphore(%run_scoped3A : memref<!tpu.dma_semaphore, #tpu.memory_space<semaphore_mem>>) src(%dma_wait3A_18 : memref<32768xi32, #tpu.memory_space<hbm>>) dst(%arg8 : memref<32768xi32, #tpu.memory_space<vmem>>)
      tpu.yield
    }) : () -> ()
    %scan3A = arith.constant 0 : i32
    %scan3A_3 = arith.constant 0 : i32
    %scan3A_4 = arith.constant 128 : i32
    %scan3A_5 = arith.addi %scan3A_3, %scan3A_4 : i32
    %scan3A_6 = arith.constant 1 : i32
    %scan3A_7 = scf.for %scan3A_9 = %scan3A_3 to %scan3A_5 step %scan3A_6 iter_args(%scan3A_10 = %scan3A) -> (i32)  : i32 {
      %iota3A = tpu.iota {dimensions = array<i32: 0>} : vector<16xi32>
      %broadcast_in_dim3A = arith.constant 1.000000e+06 : f32
      %broadcast_in_dim3A_11 = vector.broadcast %broadcast_in_dim3A : f32 to vector<16xf32>
      %broadcast_in_dim3A_12 = arith.constant 1 : i32
      %broadcast_in_dim3A_13 = vector.broadcast %broadcast_in_dim3A_12 : i32 to vector<16xi32>
      %broadcast_in_dim3A_14 = arith.constant 112 : i32
      %broadcast_in_dim3A_15 = vector.broadcast %broadcast_in_dim3A_14 : i32 to vector<16xi32>
      %broadcast_in_dim3A_16 = arith.constant 2.500000e+01 : f32
      %broadcast_in_dim3A_17 = vector.broadcast %broadcast_in_dim3A_16 : f32 to vector<16xf32>
      %broadcast_in_dim3A_18 = arith.constant 256 : i32
      %broadcast_in_dim3A_19 = vector.broadcast %broadcast_in_dim3A_18 : i32 to vector<16xi32>
      %broadcast_in_dim3A_20 = arith.constant 255 : i32
      %broadcast_in_dim3A_21 = vector.broadcast %broadcast_in_dim3A_20 : i32 to vector<16xi32>
      %broadcast_in_dim3A_22 = arith.constant 512 : i32
      %broadcast_in_dim3A_23 = vector.broadcast %broadcast_in_dim3A_22 : i32 to vector<16xi32>
      %broadcast_in_dim3A_24 = arith.constant 511 : i32
      %broadcast_in_dim3A_25 = vector.broadcast %broadcast_in_dim3A_24 : i32 to vector<16xi32>
      %add3A_26 = arith.addi %mul3A_2, %scan3A_9 : i32
      "tpu.region"() ({
        %run_scoped3A = tpu.sem_alloc : memref<!tpu.dma_semaphore, #tpu.memory_space<semaphore_mem>>
        %dma_start3A = arith.constant 0 : i32
        %dma_start3A_729 = tpu.memref_slice %arg2[%add3A_26, %dma_start3A] : memref<4096x4096xf32, #tpu.memory_space<hbm>> -> memref<1x4096xf32, #tpu.memory_space<hbm>>
        %dma_start3A_730 = tpu.memref_squeeze %dma_start3A_729 : memref<1x4096xf32, #tpu.memory_space<hbm>> -> memref<4096xf32, #tpu.memory_space<hbm>>
        %dma_start3A_731 = arith.constant 0 : i32
        %dma_start3A_732 = tpu.memref_slice %arg2[%add3A_26, %dma_start3A_731] : memref<4096x4096xf32, #tpu.memory_space<hbm>> -> memref<1x4096xf32, #tpu.memory_space<hbm>>
        %dma_start3A_733 = tpu.memref_squeeze %dma_start3A_732 : memref<1x4096xf32, #tpu.memory_space<hbm>> -> memref<4096xf32, #tpu.memory_space<hbm>>
        tpu.enqueue_dma source(%dma_start3A_733 : memref<4096xf32, #tpu.memory_space<hbm>>) target(%arg7 : memref<4096xf32, #tpu.memory_space<vmem>>) target_semaphore(%run_scoped3A : memref<!tpu.dma_semaphore, #tpu.memory_space<semaphore_mem>>)
        %dma_wait3A = arith.constant 0 : i32
        %dma_wait3A_734 = tpu.memref_slice %arg2[%add3A_26, %dma_wait3A] : memref<4096x4096xf32, #tpu.memory_space<hbm>> -> memref<1x4096xf32, #tpu.memory_space<hbm>>
        %dma_wait3A_735 = tpu.memref_squeeze %dma_wait3A_734 : memref<1x4096xf32, #tpu.memory_space<hbm>> -> memref<4096xf32, #tpu.memory_space<hbm>>
        %dma_wait3A_736 = arith.constant 0 : i32
        %dma_wait3A_737 = tpu.memref_slice %arg2[%add3A_26, %dma_wait3A_736] : memref<4096x4096xf32, #tpu.memory_space<hbm>> -> memref<1x4096xf32, #tpu.memory_space<hbm>>
        %dma_wait3A_738 = tpu.memref_squeeze %dma_wait3A_737 : memref<1x4096xf32, #tpu.memory_space<hbm>> -> memref<4096xf32, #tpu.memory_space<hbm>>
        tpu.wait_dma2 semaphore(%run_scoped3A : memref<!tpu.dma_semaphore, #tpu.memory_space<semaphore_mem>>) src(%dma_wait3A_738 : memref<4096xf32, #tpu.memory_space<hbm>>) dst(%arg7 : memref<4096xf32, #tpu.memory_space<vmem>>)
        tpu.yield
      }) : () -> ()
      %swap3A = arith.constant 0 : index
      %swap3A_27 = tpu.vector_load %arg10[%swap3A] {strides = array<i32>} : memref<256xf32, #tpu.memory_space<vmem>>, vector<16xf32>,
      tpu.vector_store %arg10[%swap3A], %broadcast_in_dim3A_11 {strides = array<i32>} : memref<256xf32, #tpu.memory_space<vmem>>, vector<16xf32>,
      %broadcast_in_dim3A_28 = arith.constant 0 : i32
      %broadcast_in_dim3A_29 = vector.broadcast %broadcast_in_dim3A_28 : i32 to vector<16xi32>
      %swap3A_30 = arith.constant 0 : index
      %swap3A_31 = tpu.vector_load %arg11[%swap3A_30] {strides = array<i32>} : memref<256xi32, #tpu.memory_space<vmem>>, vector<16xi32>,
      tpu.vector_store %arg11[%swap3A_30], %broadcast_in_dim3A_29 {strides = array<i32>} : memref<256xi32, #tpu.memory_space<vmem>>, vector<16xi32>,
      %swap3A_32 = arith.constant 16 : index
      %swap3A_33 = tpu.vector_load %arg10[%swap3A_32] {strides = array<i32>} : memref<256xf32, #tpu.memory_space<vmem>>, vector<16xf32>,
      tpu.vector_store %arg10[%swap3A_32], %broadcast_in_dim3A_11 {strides = array<i32>} : memref<256xf32, #tpu.memory_space<vmem>>, vector<16xf32>,
      %broadcast_in_dim3A_34 = arith.constant 0 : i32
      %broadcast_in_dim3A_35 = vector.broadcast %broadcast_in_dim3A_34 : i32 to vector<16xi32>
      %swap3A_36 = arith.constant 16 : index
      %swap3A_37 = tpu.vector_load %arg11[%swap3A_36] {strides = array<i32>} : memref<256xi32, #tpu.memory_space<vmem>>, vector<16xi32>,
      tpu.vector_store %arg11[%swap3A_36], %broadcast_in_dim3A_35 {strides = array<i32>} : memref<256xi32, #tpu.memory_space<vmem>>, vector<16xi32>,
      %swap3A_38 = arith.constant 32 : index
      %swap3A_39 = tpu.vector_load %arg10[%swap3A_38] {strides = array<i32>} : memref<256xf32, #tpu.memory_space<vmem>>, vector<16xf32>,
      tpu.vector_store %arg10[%swap3A_38], %broadcast_in_dim3A_11 {strides = array<i32>} : memref<256xf32, #tpu.memory_space<vmem>>, vector<16xf32>,
      %broadcast_in_dim3A_40 = arith.constant 0 : i32
      %broadcast_in_dim3A_41 = vector.broadcast %broadcast_in_dim3A_40 : i32 to vector<16xi32>
      %swap3A_42 = arith.constant 32 : index
      %swap3A_43 = tpu.vector_load %arg11[%swap3A_42] {strides = array<i32>} : memref<256xi32, #tpu.memory_space<vmem>>, vector<16xi32>,
      tpu.vector_store %arg11[%swap3A_42], %broadcast_in_dim3A_41 {strides = array<i32>} : memref<256xi32, #tpu.memory_space<vmem>>, vector<16xi32>,
      %swap3A_44 = arith.constant 48 : index
      %swap3A_45 = tpu.vector_load %arg10[%swap3A_44] {strides = array<i32>} : memref<256xf32, #tpu.memory_space<vmem>>, vector<16xf32>,
      tpu.vector_store %arg10[%swap3A_44], %broadcast_in_dim3A_11 {strides = array<i32>} : memref<256xf32, #tpu.memory_space<vmem>>, vector<16xf32>,
      %broadcast_in_dim3A_46 = arith.constant 0 : i32
      %broadcast_in_dim3A_47 = vector.broadcast %broadcast_in_dim3A_46 : i32 to vector<16xi32>
      %swap3A_48 = arith.constant 48 : index
      %swap3A_49 = tpu.vector_load %arg11[%swap3A_48] {strides = array<i32>} : memref<256xi32, #tpu.memory_space<vmem>>, vector<16xi32>,
      tpu.vector_store %arg11[%swap3A_48], %broadcast_in_dim3A_47 {strides = array<i32>} : memref<256xi32, #tpu.memory_space<vmem>>, vector<16xi32>,
      %swap3A_50 = arith.constant 64 : index
      %swap3A_51 = tpu.vector_load %arg10[%swap3A_50] {strides = array<i32>} : memref<256xf32, #tpu.memory_space<vmem>>, vector<16xf32>,
      tpu.vector_store %arg10[%swap3A_50], %broadcast_in_dim3A_11 {strides = array<i32>} : memref<256xf32, #tpu.memory_space<vmem>>, vector<16xf32>,
      %broadcast_in_dim3A_52 = arith.constant 0 : i32
      %broadcast_in_dim3A_53 = vector.broadcast %broadcast_in_dim3A_52 : i32 to vector<16xi32>
      %swap3A_54 = arith.constant 64 : index
      %swap3A_55 = tpu.vector_load %arg11[%swap3A_54] {strides = array<i32>} : memref<256xi32, #tpu.memory_space<vmem>>, vector<16xi32>,
      tpu.vector_store %arg11[%swap3A_54], %broadcast_in_dim3A_53 {strides = array<i32>} : memref<256xi32, #tpu.memory_space<vmem>>, vector<16xi32>,
      %swap3A_56 = arith.constant 80 : index
      %swap3A_57 = tpu.vector_load %arg10[%swap3A_56] {strides = array<i32>} : memref<256xf32, #tpu.memory_space<vmem>>, vector<16xf32>,
      tpu.vector_store %arg10[%swap3A_56], %broadcast_in_dim3A_11 {strides = array<i32>} : memref<256xf32, #tpu.memory_space<vmem>>, vector<16xf32>,
      %broadcast_in_dim3A_58 = arith.constant 0 : i32
      %broadcast_in_dim3A_59 = vector.broadcast %broadcast_in_dim3A_58 : i32 to vector<16xi32>
      %swap3A_60 = arith.constant 80 : index
      %swap3A_61 = tpu.vector_load %arg11[%swap3A_60] {strides = array<i32>} : memref<256xi32, #tpu.memory_space<vmem>>, vector<16xi32>,
      tpu.vector_store %arg11[%swap3A_60], %broadcast_in_dim3A_59 {strides = array<i32>} : memref<256xi32, #tpu.memory_space<vmem>>, vector<16xi32>,
      %swap3A_62 = arith.constant 96 : index
      %swap3A_63 = tpu.vector_load %arg10[%swap3A_62] {strides = array<i32>} : memref<256xf32, #tpu.memory_space<vmem>>, vector<16xf32>,
      tpu.vector_store %arg10[%swap3A_62], %broadcast_in_dim3A_11 {strides = array<i32>} : memref<256xf32, #tpu.memory_space<vmem>>, vector<16xf32>,
      %broadcast_in_dim3A_64 = arith.constant 0 : i32
      %broadcast_in_dim3A_65 = vector.broadcast %broadcast_in_dim3A_64 : i32 to vector<16xi32>
      %swap3A_66 = arith.constant 96 : index
      %swap3A_67 = tpu.vector_load %arg11[%swap3A_66] {strides = array<i32>} : memref<256xi32, #tpu.memory_space<vmem>>, vector<16xi32>,
      tpu.vector_store %arg11[%swap3A_66], %broadcast_in_dim3A_65 {strides = array<i32>} : memref<256xi32, #tpu.memory_space<vmem>>, vector<16xi32>,
      %swap3A_68 = arith.constant 112 : index
      %swap3A_69 = tpu.vector_load %arg10[%swap3A_68] {strides = array<i32>} : memref<256xf32, #tpu.memory_space<vmem>>, vector<16xf32>,
      tpu.vector_store %arg10[%swap3A_68], %broadcast_in_dim3A_11 {strides = array<i32>} : memref<256xf32, #tpu.memory_space<vmem>>, vector<16xf32>,
      %broadcast_in_dim3A_70 = arith.constant 0 : i32
      %broadcast_in_dim3A_71 = vector.broadcast %broadcast_in_dim3A_70 : i32 to vector<16xi32>
      %swap3A_72 = arith.constant 112 : index
      %swap3A_73 = tpu.vector_load %arg11[%swap3A_72] {strides = array<i32>} : memref<256xi32, #tpu.memory_space<vmem>>, vector<16xi32>,
      tpu.vector_store %arg11[%swap3A_72], %broadcast_in_dim3A_71 {strides = array<i32>} : memref<256xi32, #tpu.memory_space<vmem>>, vector<16xi32>,
      %swap3A_74 = arith.constant 128 : index
      %swap3A_75 = tpu.vector_load %arg10[%swap3A_74] {strides = array<i32>} : memref<256xf32, #tpu.memory_space<vmem>>, vector<16xf32>,
      tpu.vector_store %arg10[%swap3A_74], %broadcast_in_dim3A_11 {strides = array<i32>} : memref<256xf32, #tpu.memory_space<vmem>>, vector<16xf32>,
      %broadcast_in_dim3A_76 = arith.constant 0 : i32
      %broadcast_in_dim3A_77 = vector.broadcast %broadcast_in_dim3A_76 : i32 to vector<16xi32>
      %swap3A_78 = arith.constant 128 : index
      %swap3A_79 = tpu.vector_load %arg11[%swap3A_78] {strides = array<i32>} : memref<256xi32, #tpu.memory_space<vmem>>, vector<16xi32>,
      tpu.vector_store %arg11[%swap3A_78], %broadcast_in_dim3A_77 {strides = array<i32>} : memref<256xi32, #tpu.memory_space<vmem>>, vector<16xi32>,
      %broadcast_in_dim3A_80 = arith.constant 0 : i32
      %broadcast_in_dim3A_81 = vector.broadcast %broadcast_in_dim3A_80 : i32 to vector<16xi32>
      %broadcast_in_dim3A_82 = arith.constant 0 : i32
      %broadcast_in_dim3A_83 = vector.broadcast %broadcast_in_dim3A_82 : i32 to vector<16xi32>
      %mul3A_84 = arith.constant 256 : i32
      %mul3A_85 = arith.muli %scan3A_9, %mul3A_84 : i32
      %add3A_86 = arith.constant 0 : i32
      %add3A_87 = arith.addi %mul3A_85, %add3A_86 : i32
      %get3A = arith.index_cast %add3A_87 : i32 to index
      %get3A_88 = tpu.vector_load %arg8[%get3A] {strides = array<i32>} : memref<32768xi32, #tpu.memory_space<vmem>>, vector<16xi32>,
      %broadcast_in_dim3A_89 = arith.constant true
      %broadcast_in_dim3A_90 = vector.broadcast %broadcast_in_dim3A_89 : i1 to vector<16xi1>
      %masked_cumsum3A = tpu.scan <sum>, %get3A_88 masked %broadcast_in_dim3A_90 : vector<16xi32>, vector<16xi1> -> vector<16xi32>
      %add3A_91 = arith.addi %broadcast_in_dim3A_81, %masked_cumsum3A : vector<16xi32>
      %sub3A = arith.subi %add3A_91, %get3A_88 : vector<16xi32>
      %add3A_92 = arith.addi %broadcast_in_dim3A_81, %masked_cumsum3A : vector<16xi32>
      %broadcast_in_dim3A_93 = arith.constant 15 : i32
      %broadcast_in_dim3A_94 = vector.broadcast %broadcast_in_dim3A_93 : i32 to vector<16xi32>
      %broadcast_in_dim3A_95 = vector.shape_cast %broadcast_in_dim3A_94 : vector<16xi32> to vector<16x1xi32>
      %gather3A = vector.shape_cast %broadcast_in_dim3A_95 : vector<16x1xi32> to vector<16xi32>
      %gather3A_96 = tpu.dynamic_gather %add3A_92[%gather3A] in [0] : vector<16xi32>, vector<16xi32> -> vector<16xi32>
      %min3A = arith.minsi %get3A_88, %broadcast_in_dim3A_13 : vector<16xi32>
      %broadcast_in_dim3A_97 = arith.constant true
      %broadcast_in_dim3A_98 = vector.broadcast %broadcast_in_dim3A_97 : i1 to vector<16xi1>
      %masked_cumsum3A_99 = tpu.scan <sum>, %min3A masked %broadcast_in_dim3A_98 : vector<16xi32>, vector<16xi1> -> vector<16xi32>
      %add3A_100 = arith.addi %broadcast_in_dim3A_83, %masked_cumsum3A_99 : vector<16xi32>
      %sub3A_101 = arith.subi %add3A_100, %broadcast_in_dim3A_23 : vector<16xi32>
      %mul3A_102 = arith.muli %sub3A_101, %min3A : vector<16xi32>
      %add3A_103 = arith.addi %mul3A_102, %broadcast_in_dim3A_25 : vector<16xi32>
      %broadcast_in_dim3A_104 = arith.constant 0 : i32
      %broadcast_in_dim3A_105 = vector.broadcast %broadcast_in_dim3A_104 : i32 to vector<16xi32>
      %add3A_106 = arith.addi %iota3A, %broadcast_in_dim3A_105 : vector<16xi32>
      tpu.vector_store_idx %arg12[%add3A_103], %add3A_106 : memref<512xi32, #tpu.memory_space<vmem>>[vector<16xi32>], vector<16xi32>,
      %min3A_107 = arith.minsi %sub3A, %broadcast_in_dim3A_15 : vector<16xi32>
      tpu.vector_store_idx %arg13[%add3A_103], %min3A_107 : memref<512xi32, #tpu.memory_space<vmem>>[vector<16xi32>], vector<16xi32>,
      %add3A_108 = arith.addi %broadcast_in_dim3A_83, %masked_cumsum3A_99 : vector<16xi32>
      %broadcast_in_dim3A_109 = arith.constant 15 : i32
      %broadcast_in_dim3A_110 = vector.broadcast %broadcast_in_dim3A_109 : i32 to vector<16xi32>
      %broadcast_in_dim3A_111 = vector.shape_cast %broadcast_in_dim3A_110 : vector<16xi32> to vector<16x1xi32>
      %gather3A_112 = vector.shape_cast %broadcast_in_dim3A_111 : vector<16x1xi32> to vector<16xi32>
      %gather3A_113 = tpu.dynamic_gather %add3A_108[%gather3A_112] in [0] : vector<16xi32>, vector<16xi32> -> vector<16xi32>
      %mul3A_114 = arith.constant 256 : i32
      %mul3A_115 = arith.muli %scan3A_9, %mul3A_114 : i32
      %add3A_116 = arith.constant 16 : i32
      %add3A_117 = arith.addi %mul3A_115, %add3A_116 : i32
      %get3A_118 = arith.index_cast %add3A_117 : i32 to index
      %get3A_119 = tpu.vector_load %arg8[%get3A_118] {strides = array<i32>} : memref<32768xi32, #tpu.memory_space<vmem>>, vector<16xi32>,
      %broadcast_in_dim3A_120 = arith.constant true
      %broadcast_in_dim3A_121 = vector.broadcast %broadcast_in_dim3A_120 : i1 to vector<16xi1>
      %masked_cumsum3A_122 = tpu.scan <sum>, %get3A_119 masked %broadcast_in_dim3A_121 : vector<16xi32>, vector<16xi1> -> vector<16xi32>
      %add3A_123 = arith.addi %gather3A_96, %masked_cumsum3A_122 : vector<16xi32>
      %sub3A_124 = arith.subi %add3A_123, %get3A_119 : vector<16xi32>
      %add3A_125 = arith.addi %gather3A_96, %masked_cumsum3A_122 : vector<16xi32>
      %broadcast_in_dim3A_126 = arith.constant 15 : i32
      %broadcast_in_dim3A_127 = vector.broadcast %broadcast_in_dim3A_126 : i32 to vector<16xi32>
      %broadcast_in_dim3A_128 = vector.shape_cast %broadcast_in_dim3A_127 : vector<16xi32> to vector<16x1xi32>
      %gather3A_129 = vector.shape_cast %broadcast_in_dim3A_128 : vector<16x1xi32> to vector<16xi32>
      %gather3A_130 = tpu.dynamic_gather %add3A_125[%gather3A_129] in [0] : vector<16xi32>, vector<16xi32> -> vector<16xi32>
      %min3A_131 = arith.minsi %get3A_119, %broadcast_in_dim3A_13 : vector<16xi32>
      %broadcast_in_dim3A_132 = arith.constant true
      %broadcast_in_dim3A_133 = vector.broadcast %broadcast_in_dim3A_132 : i1 to vector<16xi1>
      %masked_cumsum3A_134 = tpu.scan <sum>, %min3A_131 masked %broadcast_in_dim3A_133 : vector<16xi32>, vector<16xi1> -> vector<16xi32>
      %add3A_135 = arith.addi %gather3A_113, %masked_cumsum3A_134 : vector<16xi32>
      %sub3A_136 = arith.subi %add3A_135, %broadcast_in_dim3A_23 : vector<16xi32>
      %mul3A_137 = arith.muli %sub3A_136, %min3A_131 : vector<16xi32>
      %add3A_138 = arith.addi %mul3A_137, %broadcast_in_dim3A_25 : vector<16xi32>
      %broadcast_in_dim3A_139 = arith.constant 16 : i32
      %broadcast_in_dim3A_140 = vector.broadcast %broadcast_in_dim3A_139 : i32 to vector<16xi32>
      %add3A_141 = arith.addi %iota3A, %broadcast_in_dim3A_140 : vector<16xi32>
      tpu.vector_store_idx %arg12[%add3A_138], %add3A_141 : memref<512xi32, #tpu.memory_space<vmem>>[vector<16xi32>], vector<16xi32>,
      %min3A_142 = arith.minsi %sub3A_124, %broadcast_in_dim3A_15 : vector<16xi32>
      tpu.vector_store_idx %arg13[%add3A_138], %min3A_142 : memref<512xi32, #tpu.memory_space<vmem>>[vector<16xi32>], vector<16xi32>,
      %add3A_143 = arith.addi %gather3A_113, %masked_cumsum3A_134 : vector<16xi32>
      %broadcast_in_dim3A_144 = arith.constant 15 : i32
      %broadcast_in_dim3A_145 = vector.broadcast %broadcast_in_dim3A_144 : i32 to vector<16xi32>
      %broadcast_in_dim3A_146 = vector.shape_cast %broadcast_in_dim3A_145 : vector<16xi32> to vector<16x1xi32>
      %gather3A_147 = vector.shape_cast %broadcast_in_dim3A_146 : vector<16x1xi32> to vector<16xi32>
      %gather3A_148 = tpu.dynamic_gather %add3A_143[%gather3A_147] in [0] : vector<16xi32>, vector<16xi32> -> vector<16xi32>
      %mul3A_149 = arith.constant 256 : i32
      %mul3A_150 = arith.muli %scan3A_9, %mul3A_149 : i32
      %add3A_151 = arith.constant 32 : i32
      %add3A_152 = arith.addi %mul3A_150, %add3A_151 : i32
      %get3A_153 = arith.index_cast %add3A_152 : i32 to index
      %get3A_154 = tpu.vector_load %arg8[%get3A_153] {strides = array<i32>} : memref<32768xi32, #tpu.memory_space<vmem>>, vector<16xi32>,
      %broadcast_in_dim3A_155 = arith.constant true
      %broadcast_in_dim3A_156 = vector.broadcast %broadcast_in_dim3A_155 : i1 to vector<16xi1>
      %masked_cumsum3A_157 = tpu.scan <sum>, %get3A_154 masked %broadcast_in_dim3A_156 : vector<16xi32>, vector<16xi1> -> vector<16xi32>
      %add3A_158 = arith.addi %gather3A_130, %masked_cumsum3A_157 : vector<16xi32>
      %sub3A_159 = arith.subi %add3A_158, %get3A_154 : vector<16xi32>
      %add3A_160 = arith.addi %gather3A_130, %masked_cumsum3A_157 : vector<16xi32>
      %broadcast_in_dim3A_161 = arith.constant 15 : i32
      %broadcast_in_dim3A_162 = vector.broadcast %broadcast_in_dim3A_161 : i32 to vector<16xi32>
      %broadcast_in_dim3A_163 = vector.shape_cast %broadcast_in_dim3A_162 : vector<16xi32> to vector<16x1xi32>
      %gather3A_164 = vector.shape_cast %broadcast_in_dim3A_163 : vector<16x1xi32> to vector<16xi32>
      %gather3A_165 = tpu.dynamic_gather %add3A_160[%gather3A_164] in [0] : vector<16xi32>, vector<16xi32> -> vector<16xi32>
      %min3A_166 = arith.minsi %get3A_154, %broadcast_in_dim3A_13 : vector<16xi32>
      %broadcast_in_dim3A_167 = arith.constant true
      %broadcast_in_dim3A_168 = vector.broadcast %broadcast_in_dim3A_167 : i1 to vector<16xi1>
      %masked_cumsum3A_169 = tpu.scan <sum>, %min3A_166 masked %broadcast_in_dim3A_168 : vector<16xi32>, vector<16xi1> -> vector<16xi32>
      %add3A_170 = arith.addi %gather3A_148, %masked_cumsum3A_169 : vector<16xi32>
      %sub3A_171 = arith.subi %add3A_170, %broadcast_in_dim3A_23 : vector<16xi32>
      %mul3A_172 = arith.muli %sub3A_171, %min3A_166 : vector<16xi32>
      %add3A_173 = arith.addi %mul3A_172, %broadcast_in_dim3A_25 : vector<16xi32>
      %broadcast_in_dim3A_174 = arith.constant 32 : i32
      %broadcast_in_dim3A_175 = vector.broadcast %broadcast_in_dim3A_174 : i32 to vector<16xi32>
      %add3A_176 = arith.addi %iota3A, %broadcast_in_dim3A_175 : vector<16xi32>
      tpu.vector_store_idx %arg12[%add3A_173], %add3A_176 : memref<512xi32, #tpu.memory_space<vmem>>[vector<16xi32>], vector<16xi32>,
      %min3A_177 = arith.minsi %sub3A_159, %broadcast_in_dim3A_15 : vector<16xi32>
      tpu.vector_store_idx %arg13[%add3A_173], %min3A_177 : memref<512xi32, #tpu.memory_space<vmem>>[vector<16xi32>], vector<16xi32>,
      %add3A_178 = arith.addi %gather3A_148, %masked_cumsum3A_169 : vector<16xi32>
      %broadcast_in_dim3A_179 = arith.constant 15 : i32
      %broadcast_in_dim3A_180 = vector.broadcast %broadcast_in_dim3A_179 : i32 to vector<16xi32>
      %broadcast_in_dim3A_181 = vector.shape_cast %broadcast_in_dim3A_180 : vector<16xi32> to vector<16x1xi32>
      %gather3A_182 = vector.shape_cast %broadcast_in_dim3A_181 : vector<16x1xi32> to vector<16xi32>
      %gather3A_183 = tpu.dynamic_gather %add3A_178[%gather3A_182] in [0] : vector<16xi32>, vector<16xi32> -> vector<16xi32>
      %mul3A_184 = arith.constant 256 : i32
      %mul3A_185 = arith.muli %scan3A_9, %mul3A_184 : i32
      %add3A_186 = arith.constant 48 : i32
      %add3A_187 = arith.addi %mul3A_185, %add3A_186 : i32
      %get3A_188 = arith.index_cast %add3A_187 : i32 to index
      %get3A_189 = tpu.vector_load %arg8[%get3A_188] {strides = array<i32>} : memref<32768xi32, #tpu.memory_space<vmem>>, vector<16xi32>,
      %broadcast_in_dim3A_190 = arith.constant true
      %broadcast_in_dim3A_191 = vector.broadcast %broadcast_in_dim3A_190 : i1 to vector<16xi1>
      %masked_cumsum3A_192 = tpu.scan <sum>, %get3A_189 masked %broadcast_in_dim3A_191 : vector<16xi32>, vector<16xi1> -> vector<16xi32>
      %add3A_193 = arith.addi %gather3A_165, %masked_cumsum3A_192 : vector<16xi32>
      %sub3A_194 = arith.subi %add3A_193, %get3A_189 : vector<16xi32>
      %add3A_195 = arith.addi %gather3A_165, %masked_cumsum3A_192 : vector<16xi32>
      %broadcast_in_dim3A_196 = arith.constant 15 : i32
      %broadcast_in_dim3A_197 = vector.broadcast %broadcast_in_dim3A_196 : i32 to vector<16xi32>
      %broadcast_in_dim3A_198 = vector.shape_cast %broadcast_in_dim3A_197 : vector<16xi32> to vector<16x1xi32>
      %gather3A_199 = vector.shape_cast %broadcast_in_dim3A_198 : vector<16x1xi32> to vector<16xi32>
      %gather3A_200 = tpu.dynamic_gather %add3A_195[%gather3A_199] in [0] : vector<16xi32>, vector<16xi32> -> vector<16xi32>
      %min3A_201 = arith.minsi %get3A_189, %broadcast_in_dim3A_13 : vector<16xi32>
      %broadcast_in_dim3A_202 = arith.constant true
      %broadcast_in_dim3A_203 = vector.broadcast %broadcast_in_dim3A_202 : i1 to vector<16xi1>
      %masked_cumsum3A_204 = tpu.scan <sum>, %min3A_201 masked %broadcast_in_dim3A_203 : vector<16xi32>, vector<16xi1> -> vector<16xi32>
      %add3A_205 = arith.addi %gather3A_183, %masked_cumsum3A_204 : vector<16xi32>
      %sub3A_206 = arith.subi %add3A_205, %broadcast_in_dim3A_23 : vector<16xi32>
      %mul3A_207 = arith.muli %sub3A_206, %min3A_201 : vector<16xi32>
      %add3A_208 = arith.addi %mul3A_207, %broadcast_in_dim3A_25 : vector<16xi32>
      %broadcast_in_dim3A_209 = arith.constant 48 : i32
      %broadcast_in_dim3A_210 = vector.broadcast %broadcast_in_dim3A_209 : i32 to vector<16xi32>
      %add3A_211 = arith.addi %iota3A, %broadcast_in_dim3A_210 : vector<16xi32>
      tpu.vector_store_idx %arg12[%add3A_208], %add3A_211 : memref<512xi32, #tpu.memory_space<vmem>>[vector<16xi32>], vector<16xi32>,
      %min3A_212 = arith.minsi %sub3A_194, %broadcast_in_dim3A_15 : vector<16xi32>
      tpu.vector_store_idx %arg13[%add3A_208], %min3A_212 : memref<512xi32, #tpu.memory_space<vmem>>[vector<16xi32>], vector<16xi32>,
      %add3A_213 = arith.addi %gather3A_183, %masked_cumsum3A_204 : vector<16xi32>
      %broadcast_in_dim3A_214 = arith.constant 15 : i32
      %broadcast_in_dim3A_215 = vector.broadcast %broadcast_in_dim3A_214 : i32 to vector<16xi32>
      %broadcast_in_dim3A_216 = vector.shape_cast %broadcast_in_dim3A_215 : vector<16xi32> to vector<16x1xi32>
      %gather3A_217 = vector.shape_cast %broadcast_in_dim3A_216 : vector<16x1xi32> to vector<16xi32>
      %gather3A_218 = tpu.dynamic_gather %add3A_213[%gather3A_217] in [0] : vector<16xi32>, vector<16xi32> -> vector<16xi32>
      %mul3A_219 = arith.constant 256 : i32
      %mul3A_220 = arith.muli %scan3A_9, %mul3A_219 : i32
      %add3A_221 = arith.constant 64 : i32
      %add3A_222 = arith.addi %mul3A_220, %add3A_221 : i32
      %get3A_223 = arith.index_cast %add3A_222 : i32 to index
      %get3A_224 = tpu.vector_load %arg8[%get3A_223] {strides = array<i32>} : memref<32768xi32, #tpu.memory_space<vmem>>, vector<16xi32>,
      %broadcast_in_dim3A_225 = arith.constant true
      %broadcast_in_dim3A_226 = vector.broadcast %broadcast_in_dim3A_225 : i1 to vector<16xi1>
      %masked_cumsum3A_227 = tpu.scan <sum>, %get3A_224 masked %broadcast_in_dim3A_226 : vector<16xi32>, vector<16xi1> -> vector<16xi32>
      %add3A_228 = arith.addi %gather3A_200, %masked_cumsum3A_227 : vector<16xi32>
      %sub3A_229 = arith.subi %add3A_228, %get3A_224 : vector<16xi32>
      %add3A_230 = arith.addi %gather3A_200, %masked_cumsum3A_227 : vector<16xi32>
      %broadcast_in_dim3A_231 = arith.constant 15 : i32
      %broadcast_in_dim3A_232 = vector.broadcast %broadcast_in_dim3A_231 : i32 to vector<16xi32>
      %broadcast_in_dim3A_233 = vector.shape_cast %broadcast_in_dim3A_232 : vector<16xi32> to vector<16x1xi32>
      %gather3A_234 = vector.shape_cast %broadcast_in_dim3A_233 : vector<16x1xi32> to vector<16xi32>
      %gather3A_235 = tpu.dynamic_gather %add3A_230[%gather3A_234] in [0] : vector<16xi32>, vector<16xi32> -> vector<16xi32>
      %min3A_236 = arith.minsi %get3A_224, %broadcast_in_dim3A_13 : vector<16xi32>
      %broadcast_in_dim3A_237 = arith.constant true
      %broadcast_in_dim3A_238 = vector.broadcast %broadcast_in_dim3A_237 : i1 to vector<16xi1>
      %masked_cumsum3A_239 = tpu.scan <sum>, %min3A_236 masked %broadcast_in_dim3A_238 : vector<16xi32>, vector<16xi1> -> vector<16xi32>
      %add3A_240 = arith.addi %gather3A_218, %masked_cumsum3A_239 : vector<16xi32>
      %sub3A_241 = arith.subi %add3A_240, %broadcast_in_dim3A_23 : vector<16xi32>
      %mul3A_242 = arith.muli %sub3A_241, %min3A_236 : vector<16xi32>
      %add3A_243 = arith.addi %mul3A_242, %broadcast_in_dim3A_25 : vector<16xi32>
      %broadcast_in_dim3A_244 = arith.constant 64 : i32
      %broadcast_in_dim3A_245 = vector.broadcast %broadcast_in_dim3A_244 : i32 to vector<16xi32>
      %add3A_246 = arith.addi %iota3A, %broadcast_in_dim3A_245 : vector<16xi32>
      tpu.vector_store_idx %arg12[%add3A_243], %add3A_246 : memref<512xi32, #tpu.memory_space<vmem>>[vector<16xi32>], vector<16xi32>,
      %min3A_247 = arith.minsi %sub3A_229, %broadcast_in_dim3A_15 : vector<16xi32>
      tpu.vector_store_idx %arg13[%add3A_243], %min3A_247 : memref<512xi32, #tpu.memory_space<vmem>>[vector<16xi32>], vector<16xi32>,
      %add3A_248 = arith.addi %gather3A_218, %masked_cumsum3A_239 : vector<16xi32>
      %broadcast_in_dim3A_249 = arith.constant 15 : i32
      %broadcast_in_dim3A_250 = vector.broadcast %broadcast_in_dim3A_249 : i32 to vector<16xi32>
      %broadcast_in_dim3A_251 = vector.shape_cast %broadcast_in_dim3A_250 : vector<16xi32> to vector<16x1xi32>
      %gather3A_252 = vector.shape_cast %broadcast_in_dim3A_251 : vector<16x1xi32> to vector<16xi32>
      %gather3A_253 = tpu.dynamic_gather %add3A_248[%gather3A_252] in [0] : vector<16xi32>, vector<16xi32> -> vector<16xi32>
      %mul3A_254 = arith.constant 256 : i32
      %mul3A_255 = arith.muli %scan3A_9, %mul3A_254 : i32
      %add3A_256 = arith.constant 80 : i32
      %add3A_257 = arith.addi %mul3A_255, %add3A_256 : i32
      %get3A_258 = arith.index_cast %add3A_257 : i32 to index
      %get3A_259 = tpu.vector_load %arg8[%get3A_258] {strides = array<i32>} : memref<32768xi32, #tpu.memory_space<vmem>>, vector<16xi32>,
      %broadcast_in_dim3A_260 = arith.constant true
      %broadcast_in_dim3A_261 = vector.broadcast %broadcast_in_dim3A_260 : i1 to vector<16xi1>
      %masked_cumsum3A_262 = tpu.scan <sum>, %get3A_259 masked %broadcast_in_dim3A_261 : vector<16xi32>, vector<16xi1> -> vector<16xi32>
      %add3A_263 = arith.addi %gather3A_235, %masked_cumsum3A_262 : vector<16xi32>
      %sub3A_264 = arith.subi %add3A_263, %get3A_259 : vector<16xi32>
      %add3A_265 = arith.addi %gather3A_235, %masked_cumsum3A_262 : vector<16xi32>
      %broadcast_in_dim3A_266 = arith.constant 15 : i32
      %broadcast_in_dim3A_267 = vector.broadcast %broadcast_in_dim3A_266 : i32 to vector<16xi32>
      %broadcast_in_dim3A_268 = vector.shape_cast %broadcast_in_dim3A_267 : vector<16xi32> to vector<16x1xi32>
      %gather3A_269 = vector.shape_cast %broadcast_in_dim3A_268 : vector<16x1xi32> to vector<16xi32>
      %gather3A_270 = tpu.dynamic_gather %add3A_265[%gather3A_269] in [0] : vector<16xi32>, vector<16xi32> -> vector<16xi32>
      %min3A_271 = arith.minsi %get3A_259, %broadcast_in_dim3A_13 : vector<16xi32>
      %broadcast_in_dim3A_272 = arith.constant true
      %broadcast_in_dim3A_273 = vector.broadcast %broadcast_in_dim3A_272 : i1 to vector<16xi1>
      %masked_cumsum3A_274 = tpu.scan <sum>, %min3A_271 masked %broadcast_in_dim3A_273 : vector<16xi32>, vector<16xi1> -> vector<16xi32>
      %add3A_275 = arith.addi %gather3A_253, %masked_cumsum3A_274 : vector<16xi32>
      %sub3A_276 = arith.subi %add3A_275, %broadcast_in_dim3A_23 : vector<16xi32>
      %mul3A_277 = arith.muli %sub3A_276, %min3A_271 : vector<16xi32>
      %add3A_278 = arith.addi %mul3A_277, %broadcast_in_dim3A_25 : vector<16xi32>
      %broadcast_in_dim3A_279 = arith.constant 80 : i32
      %broadcast_in_dim3A_280 = vector.broadcast %broadcast_in_dim3A_279 : i32 to vector<16xi32>
      %add3A_281 = arith.addi %iota3A, %broadcast_in_dim3A_280 : vector<16xi32>
      tpu.vector_store_idx %arg12[%add3A_278], %add3A_281 : memref<512xi32, #tpu.memory_space<vmem>>[vector<16xi32>], vector<16xi32>,
      %min3A_282 = arith.minsi %sub3A_264, %broadcast_in_dim3A_15 : vector<16xi32>
      tpu.vector_store_idx %arg13[%add3A_278], %min3A_282 : memref<512xi32, #tpu.memory_space<vmem>>[vector<16xi32>], vector<16xi32>,
      %add3A_283 = arith.addi %gather3A_253, %masked_cumsum3A_274 : vector<16xi32>
      %broadcast_in_dim3A_284 = arith.constant 15 : i32
      %broadcast_in_dim3A_285 = vector.broadcast %broadcast_in_dim3A_284 : i32 to vector<16xi32>
      %broadcast_in_dim3A_286 = vector.shape_cast %broadcast_in_dim3A_285 : vector<16xi32> to vector<16x1xi32>
      %gather3A_287 = vector.shape_cast %broadcast_in_dim3A_286 : vector<16x1xi32> to vector<16xi32>
      %gather3A_288 = tpu.dynamic_gather %add3A_283[%gather3A_287] in [0] : vector<16xi32>, vector<16xi32> -> vector<16xi32>
      %mul3A_289 = arith.constant 256 : i32
      %mul3A_290 = arith.muli %scan3A_9, %mul3A_289 : i32
      %add3A_291 = arith.constant 96 : i32
      %add3A_292 = arith.addi %mul3A_290, %add3A_291 : i32
      %get3A_293 = arith.index_cast %add3A_292 : i32 to index
      %get3A_294 = tpu.vector_load %arg8[%get3A_293] {strides = array<i32>} : memref<32768xi32, #tpu.memory_space<vmem>>, vector<16xi32>,
      %broadcast_in_dim3A_295 = arith.constant true
      %broadcast_in_dim3A_296 = vector.broadcast %broadcast_in_dim3A_295 : i1 to vector<16xi1>
      %masked_cumsum3A_297 = tpu.scan <sum>, %get3A_294 masked %broadcast_in_dim3A_296 : vector<16xi32>, vector<16xi1> -> vector<16xi32>
      %add3A_298 = arith.addi %gather3A_270, %masked_cumsum3A_297 : vector<16xi32>
      %sub3A_299 = arith.subi %add3A_298, %get3A_294 : vector<16xi32>
      %add3A_300 = arith.addi %gather3A_270, %masked_cumsum3A_297 : vector<16xi32>
      %broadcast_in_dim3A_301 = arith.constant 15 : i32
      %broadcast_in_dim3A_302 = vector.broadcast %broadcast_in_dim3A_301 : i32 to vector<16xi32>
      %broadcast_in_dim3A_303 = vector.shape_cast %broadcast_in_dim3A_302 : vector<16xi32> to vector<16x1xi32>
      %gather3A_304 = vector.shape_cast %broadcast_in_dim3A_303 : vector<16x1xi32> to vector<16xi32>
      %gather3A_305 = tpu.dynamic_gather %add3A_300[%gather3A_304] in [0] : vector<16xi32>, vector<16xi32> -> vector<16xi32>
      %min3A_306 = arith.minsi %get3A_294, %broadcast_in_dim3A_13 : vector<16xi32>
      %broadcast_in_dim3A_307 = arith.constant true
      %broadcast_in_dim3A_308 = vector.broadcast %broadcast_in_dim3A_307 : i1 to vector<16xi1>
      %masked_cumsum3A_309 = tpu.scan <sum>, %min3A_306 masked %broadcast_in_dim3A_308 : vector<16xi32>, vector<16xi1> -> vector<16xi32>
      %add3A_310 = arith.addi %gather3A_288, %masked_cumsum3A_309 : vector<16xi32>
      %sub3A_311 = arith.subi %add3A_310, %broadcast_in_dim3A_23 : vector<16xi32>
      %mul3A_312 = arith.muli %sub3A_311, %min3A_306 : vector<16xi32>
      %add3A_313 = arith.addi %mul3A_312, %broadcast_in_dim3A_25 : vector<16xi32>
      %broadcast_in_dim3A_314 = arith.constant 96 : i32
      %broadcast_in_dim3A_315 = vector.broadcast %broadcast_in_dim3A_314 : i32 to vector<16xi32>
      %add3A_316 = arith.addi %iota3A, %broadcast_in_dim3A_315 : vector<16xi32>
      tpu.vector_store_idx %arg12[%add3A_313], %add3A_316 : memref<512xi32, #tpu.memory_space<vmem>>[vector<16xi32>], vector<16xi32>,
      %min3A_317 = arith.minsi %sub3A_299, %broadcast_in_dim3A_15 : vector<16xi32>
      tpu.vector_store_idx %arg13[%add3A_313], %min3A_317 : memref<512xi32, #tpu.memory_space<vmem>>[vector<16xi32>], vector<16xi32>,
      %add3A_318 = arith.addi %gather3A_288, %masked_cumsum3A_309 : vector<16xi32>
      %broadcast_in_dim3A_319 = arith.constant 15 : i32
      %broadcast_in_dim3A_320 = vector.broadcast %broadcast_in_dim3A_319 : i32 to vector<16xi32>
      %broadcast_in_dim3A_321 = vector.shape_cast %broadcast_in_dim3A_320 : vector<16xi32> to vector<16x1xi32>
      %gather3A_322 = vector.shape_cast %broadcast_in_dim3A_321 : vector<16x1xi32> to vector<16xi32>
      %gather3A_323 = tpu.dynamic_gather %add3A_318[%gather3A_322] in [0] : vector<16xi32>, vector<16xi32> -> vector<16xi32>
      %mul3A_324 = arith.constant 256 : i32
      %mul3A_325 = arith.muli %scan3A_9, %mul3A_324 : i32
      %add3A_326 = arith.constant 112 : i32
      %add3A_327 = arith.addi %mul3A_325, %add3A_326 : i32
      %get3A_328 = arith.index_cast %add3A_327 : i32 to index
      %get3A_329 = tpu.vector_load %arg8[%get3A_328] {strides = array<i32>} : memref<32768xi32, #tpu.memory_space<vmem>>, vector<16xi32>,
      %broadcast_in_dim3A_330 = arith.constant true
      %broadcast_in_dim3A_331 = vector.broadcast %broadcast_in_dim3A_330 : i1 to vector<16xi1>
      %masked_cumsum3A_332 = tpu.scan <sum>, %get3A_329 masked %broadcast_in_dim3A_331 : vector<16xi32>, vector<16xi1> -> vector<16xi32>
      %add3A_333 = arith.addi %gather3A_305, %masked_cumsum3A_332 : vector<16xi32>
      %sub3A_334 = arith.subi %add3A_333, %get3A_329 : vector<16xi32>
      %add3A_335 = arith.addi %gather3A_305, %masked_cumsum3A_332 : vector<16xi32>
      %broadcast_in_dim3A_336 = arith.constant 15 : i32
      %broadcast_in_dim3A_337 = vector.broadcast %broadcast_in_dim3A_336 : i32 to vector<16xi32>
      %broadcast_in_dim3A_338 = vector.shape_cast %broadcast_in_dim3A_337 : vector<16xi32> to vector<16x1xi32>
      %gather3A_339 = vector.shape_cast %broadcast_in_dim3A_338 : vector<16x1xi32> to vector<16xi32>
      %gather3A_340 = tpu.dynamic_gather %add3A_335[%gather3A_339] in [0] : vector<16xi32>, vector<16xi32> -> vector<16xi32>
      %min3A_341 = arith.minsi %get3A_329, %broadcast_in_dim3A_13 : vector<16xi32>
      %broadcast_in_dim3A_342 = arith.constant true
      %broadcast_in_dim3A_343 = vector.broadcast %broadcast_in_dim3A_342 : i1 to vector<16xi1>
      %masked_cumsum3A_344 = tpu.scan <sum>, %min3A_341 masked %broadcast_in_dim3A_343 : vector<16xi32>, vector<16xi1> -> vector<16xi32>
      %add3A_345 = arith.addi %gather3A_323, %masked_cumsum3A_344 : vector<16xi32>
      %sub3A_346 = arith.subi %add3A_345, %broadcast_in_dim3A_23 : vector<16xi32>
      %mul3A_347 = arith.muli %sub3A_346, %min3A_341 : vector<16xi32>
      %add3A_348 = arith.addi %mul3A_347, %broadcast_in_dim3A_25 : vector<16xi32>
      %broadcast_in_dim3A_349 = arith.constant 112 : i32
      %broadcast_in_dim3A_350 = vector.broadcast %broadcast_in_dim3A_349 : i32 to vector<16xi32>
      %add3A_351 = arith.addi %iota3A, %broadcast_in_dim3A_350 : vector<16xi32>
      tpu.vector_store_idx %arg12[%add3A_348], %add3A_351 : memref<512xi32, #tpu.memory_space<vmem>>[vector<16xi32>], vector<16xi32>,
      %min3A_352 = arith.minsi %sub3A_334, %broadcast_in_dim3A_15 : vector<16xi32>
      tpu.vector_store_idx %arg13[%add3A_348], %min3A_352 : memref<512xi32, #tpu.memory_space<vmem>>[vector<16xi32>], vector<16xi32>,
      %add3A_353 = arith.addi %gather3A_323, %masked_cumsum3A_344 : vector<16xi32>
      %broadcast_in_dim3A_354 = arith.constant 15 : i32
      %broadcast_in_dim3A_355 = vector.broadcast %broadcast_in_dim3A_354 : i32 to vector<16xi32>
      %broadcast_in_dim3A_356 = vector.shape_cast %broadcast_in_dim3A_355 : vector<16xi32> to vector<16x1xi32>
      %gather3A_357 = vector.shape_cast %broadcast_in_dim3A_356 : vector<16x1xi32> to vector<16xi32>
      %gather3A_358 = tpu.dynamic_gather %add3A_353[%gather3A_357] in [0] : vector<16xi32>, vector<16xi32> -> vector<16xi32>
      %mul3A_359 = arith.constant 256 : i32
      %mul3A_360 = arith.muli %scan3A_9, %mul3A_359 : i32
      %add3A_361 = arith.constant 128 : i32
      %add3A_362 = arith.addi %mul3A_360, %add3A_361 : i32
      %get3A_363 = arith.index_cast %add3A_362 : i32 to index
      %get3A_364 = tpu.vector_load %arg8[%get3A_363] {strides = array<i32>} : memref<32768xi32, #tpu.memory_space<vmem>>, vector<16xi32>,
      %broadcast_in_dim3A_365 = arith.constant true
      %broadcast_in_dim3A_366 = vector.broadcast %broadcast_in_dim3A_365 : i1 to vector<16xi1>
      %masked_cumsum3A_367 = tpu.scan <sum>, %get3A_364 masked %broadcast_in_dim3A_366 : vector<16xi32>, vector<16xi1> -> vector<16xi32>
      %add3A_368 = arith.addi %gather3A_340, %masked_cumsum3A_367 : vector<16xi32>
      %sub3A_369 = arith.subi %add3A_368, %get3A_364 : vector<16xi32>
      %add3A_370 = arith.addi %gather3A_340, %masked_cumsum3A_367 : vector<16xi32>
      %broadcast_in_dim3A_371 = arith.constant 15 : i32
      %broadcast_in_dim3A_372 = vector.broadcast %broadcast_in_dim3A_371 : i32 to vector<16xi32>
      %broadcast_in_dim3A_373 = vector.shape_cast %broadcast_in_dim3A_372 : vector<16xi32> to vector<16x1xi32>
      %gather3A_374 = vector.shape_cast %broadcast_in_dim3A_373 : vector<16x1xi32> to vector<16xi32>
      %gather3A_375 = tpu.dynamic_gather %add3A_370[%gather3A_374] in [0] : vector<16xi32>, vector<16xi32> -> vector<16xi32>
      %min3A_376 = arith.minsi %get3A_364, %broadcast_in_dim3A_13 : vector<16xi32>
      %broadcast_in_dim3A_377 = arith.constant true
      %broadcast_in_dim3A_378 = vector.broadcast %broadcast_in_dim3A_377 : i1 to vector<16xi1>
      %masked_cumsum3A_379 = tpu.scan <sum>, %min3A_376 masked %broadcast_in_dim3A_378 : vector<16xi32>, vector<16xi1> -> vector<16xi32>
      %add3A_380 = arith.addi %gather3A_358, %masked_cumsum3A_379 : vector<16xi32>
      %sub3A_381 = arith.subi %add3A_380, %broadcast_in_dim3A_23 : vector<16xi32>
      %mul3A_382 = arith.muli %sub3A_381, %min3A_376 : vector<16xi32>
      %add3A_383 = arith.addi %mul3A_382, %broadcast_in_dim3A_25 : vector<16xi32>
      %broadcast_in_dim3A_384 = arith.constant 128 : i32
      %broadcast_in_dim3A_385 = vector.broadcast %broadcast_in_dim3A_384 : i32 to vector<16xi32>
      %add3A_386 = arith.addi %iota3A, %broadcast_in_dim3A_385 : vector<16xi32>
      tpu.vector_store_idx %arg12[%add3A_383], %add3A_386 : memref<512xi32, #tpu.memory_space<vmem>>[vector<16xi32>], vector<16xi32>,
      %min3A_387 = arith.minsi %sub3A_369, %broadcast_in_dim3A_15 : vector<16xi32>
      tpu.vector_store_idx %arg13[%add3A_383], %min3A_387 : memref<512xi32, #tpu.memory_space<vmem>>[vector<16xi32>], vector<16xi32>,
      %add3A_388 = arith.addi %gather3A_358, %masked_cumsum3A_379 : vector<16xi32>
      %broadcast_in_dim3A_389 = arith.constant 15 : i32
      %broadcast_in_dim3A_390 = vector.broadcast %broadcast_in_dim3A_389 : i32 to vector<16xi32>
      %broadcast_in_dim3A_391 = vector.shape_cast %broadcast_in_dim3A_390 : vector<16xi32> to vector<16x1xi32>
      %gather3A_392 = vector.shape_cast %broadcast_in_dim3A_391 : vector<16x1xi32> to vector<16xi32>
      %gather3A_393 = tpu.dynamic_gather %add3A_388[%gather3A_392] in [0] : vector<16xi32>, vector<16xi32> -> vector<16xi32>
      %mul3A_394 = arith.constant 256 : i32
      %mul3A_395 = arith.muli %scan3A_9, %mul3A_394 : i32
      %add3A_396 = arith.constant 144 : i32
      %add3A_397 = arith.addi %mul3A_395, %add3A_396 : i32
      %get3A_398 = arith.index_cast %add3A_397 : i32 to index
      %get3A_399 = tpu.vector_load %arg8[%get3A_398] {strides = array<i32>} : memref<32768xi32, #tpu.memory_space<vmem>>, vector<16xi32>,
      %broadcast_in_dim3A_400 = arith.constant true
      %broadcast_in_dim3A_401 = vector.broadcast %broadcast_in_dim3A_400 : i1 to vector<16xi1>
      %masked_cumsum3A_402 = tpu.scan <sum>, %get3A_399 masked %broadcast_in_dim3A_401 : vector<16xi32>, vector<16xi1> -> vector<16xi32>
      %add3A_403 = arith.addi %gather3A_375, %masked_cumsum3A_402 : vector<16xi32>
      %sub3A_404 = arith.subi %add3A_403, %get3A_399 : vector<16xi32>
      %add3A_405 = arith.addi %gather3A_375, %masked_cumsum3A_402 : vector<16xi32>
      %broadcast_in_dim3A_406 = arith.constant 15 : i32
      %broadcast_in_dim3A_407 = vector.broadcast %broadcast_in_dim3A_406 : i32 to vector<16xi32>
      %broadcast_in_dim3A_408 = vector.shape_cast %broadcast_in_dim3A_407 : vector<16xi32> to vector<16x1xi32>
      %gather3A_409 = vector.shape_cast %broadcast_in_dim3A_408 : vector<16x1xi32> to vector<16xi32>
      %gather3A_410 = tpu.dynamic_gather %add3A_405[%gather3A_409] in [0] : vector<16xi32>, vector<16xi32> -> vector<16xi32>
      %min3A_411 = arith.minsi %get3A_399, %broadcast_in_dim3A_13 : vector<16xi32>
      %broadcast_in_dim3A_412 = arith.constant true
      %broadcast_in_dim3A_413 = vector.broadcast %broadcast_in_dim3A_412 : i1 to vector<16xi1>
      %masked_cumsum3A_414 = tpu.scan <sum>, %min3A_411 masked %broadcast_in_dim3A_413 : vector<16xi32>, vector<16xi1> -> vector<16xi32>
      %add3A_415 = arith.addi %gather3A_393, %masked_cumsum3A_414 : vector<16xi32>
      %sub3A_416 = arith.subi %add3A_415, %broadcast_in_dim3A_23 : vector<16xi32>
      %mul3A_417 = arith.muli %sub3A_416, %min3A_411 : vector<16xi32>
      %add3A_418 = arith.addi %mul3A_417, %broadcast_in_dim3A_25 : vector<16xi32>
      %broadcast_in_dim3A_419 = arith.constant 144 : i32
      %broadcast_in_dim3A_420 = vector.broadcast %broadcast_in_dim3A_419 : i32 to vector<16xi32>
      %add3A_421 = arith.addi %iota3A, %broadcast_in_dim3A_420 : vector<16xi32>
      tpu.vector_store_idx %arg12[%add3A_418], %add3A_421 : memref<512xi32, #tpu.memory_space<vmem>>[vector<16xi32>], vector<16xi32>,
      %min3A_422 = arith.minsi %sub3A_404, %broadcast_in_dim3A_15 : vector<16xi32>
      tpu.vector_store_idx %arg13[%add3A_418], %min3A_422 : memref<512xi32, #tpu.memory_space<vmem>>[vector<16xi32>], vector<16xi32>,
      %add3A_423 = arith.addi %gather3A_393, %masked_cumsum3A_414 : vector<16xi32>
      %broadcast_in_dim3A_424 = arith.constant 15 : i32
      %broadcast_in_dim3A_425 = vector.broadcast %broadcast_in_dim3A_424 : i32 to vector<16xi32>
      %broadcast_in_dim3A_426 = vector.shape_cast %broadcast_in_dim3A_425 : vector<16xi32> to vector<16x1xi32>
      %gather3A_427 = vector.shape_cast %broadcast_in_dim3A_426 : vector<16x1xi32> to vector<16xi32>
      %gather3A_428 = tpu.dynamic_gather %add3A_423[%gather3A_427] in [0] : vector<16xi32>, vector<16xi32> -> vector<16xi32>
      %mul3A_429 = arith.constant 256 : i32
      %mul3A_430 = arith.muli %scan3A_9, %mul3A_429 : i32
      %add3A_431 = arith.constant 160 : i32
      %add3A_432 = arith.addi %mul3A_430, %add3A_431 : i32
      %get3A_433 = arith.index_cast %add3A_432 : i32 to index
      %get3A_434 = tpu.vector_load %arg8[%get3A_433] {strides = array<i32>} : memref<32768xi32, #tpu.memory_space<vmem>>, vector<16xi32>,
      %broadcast_in_dim3A_435 = arith.constant true
      %broadcast_in_dim3A_436 = vector.broadcast %broadcast_in_dim3A_435 : i1 to vector<16xi1>
      %masked_cumsum3A_437 = tpu.scan <sum>, %get3A_434 masked %broadcast_in_dim3A_436 : vector<16xi32>, vector<16xi1> -> vector<16xi32>
      %add3A_438 = arith.addi %gather3A_410, %masked_cumsum3A_437 : vector<16xi32>
      %sub3A_439 = arith.subi %add3A_438, %get3A_434 : vector<16xi32>
      %add3A_440 = arith.addi %gather3A_410, %masked_cumsum3A_437 : vector<16xi32>
      %broadcast_in_dim3A_441 = arith.constant 15 : i32
      %broadcast_in_dim3A_442 = vector.broadcast %broadcast_in_dim3A_441 : i32 to vector<16xi32>
      %broadcast_in_dim3A_443 = vector.shape_cast %broadcast_in_dim3A_442 : vector<16xi32> to vector<16x1xi32>
      %gather3A_444 = vector.shape_cast %broadcast_in_dim3A_443 : vector<16x1xi32> to vector<16xi32>
      %gather3A_445 = tpu.dynamic_gather %add3A_440[%gather3A_444] in [0] : vector<16xi32>, vector<16xi32> -> vector<16xi32>
      %min3A_446 = arith.minsi %get3A_434, %broadcast_in_dim3A_13 : vector<16xi32>
      %broadcast_in_dim3A_447 = arith.constant true
      %broadcast_in_dim3A_448 = vector.broadcast %broadcast_in_dim3A_447 : i1 to vector<16xi1>
      %masked_cumsum3A_449 = tpu.scan <sum>, %min3A_446 masked %broadcast_in_dim3A_448 : vector<16xi32>, vector<16xi1> -> vector<16xi32>
      %add3A_450 = arith.addi %gather3A_428, %masked_cumsum3A_449 : vector<16xi32>
      %sub3A_451 = arith.subi %add3A_450, %broadcast_in_dim3A_23 : vector<16xi32>
      %mul3A_452 = arith.muli %sub3A_451, %min3A_446 : vector<16xi32>
      %add3A_453 = arith.addi %mul3A_452, %broadcast_in_dim3A_25 : vector<16xi32>
      %broadcast_in_dim3A_454 = arith.constant 160 : i32
      %broadcast_in_dim3A_455 = vector.broadcast %broadcast_in_dim3A_454 : i32 to vector<16xi32>
      %add3A_456 = arith.addi %iota3A, %broadcast_in_dim3A_455 : vector<16xi32>
      tpu.vector_store_idx %arg12[%add3A_453], %add3A_456 : memref<512xi32, #tpu.memory_space<vmem>>[vector<16xi32>], vector<16xi32>,
      %min3A_457 = arith.minsi %sub3A_439, %broadcast_in_dim3A_15 : vector<16xi32>
      tpu.vector_store_idx %arg13[%add3A_453], %min3A_457 : memref<512xi32, #tpu.memory_space<vmem>>[vector<16xi32>], vector<16xi32>,
      %add3A_458 = arith.addi %gather3A_428, %masked_cumsum3A_449 : vector<16xi32>
      %broadcast_in_dim3A_459 = arith.constant 15 : i32
      %broadcast_in_dim3A_460 = vector.broadcast %broadcast_in_dim3A_459 : i32 to vector<16xi32>
      %broadcast_in_dim3A_461 = vector.shape_cast %broadcast_in_dim3A_460 : vector<16xi32> to vector<16x1xi32>
      %gather3A_462 = vector.shape_cast %broadcast_in_dim3A_461 : vector<16x1xi32> to vector<16xi32>
      %gather3A_463 = tpu.dynamic_gather %add3A_458[%gather3A_462] in [0] : vector<16xi32>, vector<16xi32> -> vector<16xi32>
      %mul3A_464 = arith.constant 256 : i32
      %mul3A_465 = arith.muli %scan3A_9, %mul3A_464 : i32
      %add3A_466 = arith.constant 176 : i32
      %add3A_467 = arith.addi %mul3A_465, %add3A_466 : i32
      %get3A_468 = arith.index_cast %add3A_467 : i32 to index
      %get3A_469 = tpu.vector_load %arg8[%get3A_468] {strides = array<i32>} : memref<32768xi32, #tpu.memory_space<vmem>>, vector<16xi32>,
      %broadcast_in_dim3A_470 = arith.constant true
      %broadcast_in_dim3A_471 = vector.broadcast %broadcast_in_dim3A_470 : i1 to vector<16xi1>
      %masked_cumsum3A_472 = tpu.scan <sum>, %get3A_469 masked %broadcast_in_dim3A_471 : vector<16xi32>, vector<16xi1> -> vector<16xi32>
      %add3A_473 = arith.addi %gather3A_445, %masked_cumsum3A_472 : vector<16xi32>
      %sub3A_474 = arith.subi %add3A_473, %get3A_469 : vector<16xi32>
      %add3A_475 = arith.addi %gather3A_445, %masked_cumsum3A_472 : vector<16xi32>
      %broadcast_in_dim3A_476 = arith.constant 15 : i32
      %broadcast_in_dim3A_477 = vector.broadcast %broadcast_in_dim3A_476 : i32 to vector<16xi32>
      %broadcast_in_dim3A_478 = vector.shape_cast %broadcast_in_dim3A_477 : vector<16xi32> to vector<16x1xi32>
      %gather3A_479 = vector.shape_cast %broadcast_in_dim3A_478 : vector<16x1xi32> to vector<16xi32>
      %gather3A_480 = tpu.dynamic_gather %add3A_475[%gather3A_479] in [0] : vector<16xi32>, vector<16xi32> -> vector<16xi32>
      %min3A_481 = arith.minsi %get3A_469, %broadcast_in_dim3A_13 : vector<16xi32>
      %broadcast_in_dim3A_482 = arith.constant true
      %broadcast_in_dim3A_483 = vector.broadcast %broadcast_in_dim3A_482 : i1 to vector<16xi1>
      %masked_cumsum3A_484 = tpu.scan <sum>, %min3A_481 masked %broadcast_in_dim3A_483 : vector<16xi32>, vector<16xi1> -> vector<16xi32>
      %add3A_485 = arith.addi %gather3A_463, %masked_cumsum3A_484 : vector<16xi32>
      %sub3A_486 = arith.subi %add3A_485, %broadcast_in_dim3A_23 : vector<16xi32>
      %mul3A_487 = arith.muli %sub3A_486, %min3A_481 : vector<16xi32>
      %add3A_488 = arith.addi %mul3A_487, %broadcast_in_dim3A_25 : vector<16xi32>
      %broadcast_in_dim3A_489 = arith.constant 176 : i32
      %broadcast_in_dim3A_490 = vector.broadcast %broadcast_in_dim3A_489 : i32 to vector<16xi32>
      %add3A_491 = arith.addi %iota3A, %broadcast_in_dim3A_490 : vector<16xi32>
      tpu.vector_store_idx %arg12[%add3A_488], %add3A_491 : memref<512xi32, #tpu.memory_space<vmem>>[vector<16xi32>], vector<16xi32>,
      %min3A_492 = arith.minsi %sub3A_474, %broadcast_in_dim3A_15 : vector<16xi32>
      tpu.vector_store_idx %arg13[%add3A_488], %min3A_492 : memref<512xi32, #tpu.memory_space<vmem>>[vector<16xi32>], vector<16xi32>,
      %add3A_493 = arith.addi %gather3A_463, %masked_cumsum3A_484 : vector<16xi32>
      %broadcast_in_dim3A_494 = arith.constant 15 : i32
      %broadcast_in_dim3A_495 = vector.broadcast %broadcast_in_dim3A_494 : i32 to vector<16xi32>
      %broadcast_in_dim3A_496 = vector.shape_cast %broadcast_in_dim3A_495 : vector<16xi32> to vector<16x1xi32>
      %gather3A_497 = vector.shape_cast %broadcast_in_dim3A_496 : vector<16x1xi32> to vector<16xi32>
      %gather3A_498 = tpu.dynamic_gather %add3A_493[%gather3A_497] in [0] : vector<16xi32>, vector<16xi32> -> vector<16xi32>
      %mul3A_499 = arith.constant 256 : i32
      %mul3A_500 = arith.muli %scan3A_9, %mul3A_499 : i32
      %add3A_501 = arith.constant 192 : i32
      %add3A_502 = arith.addi %mul3A_500, %add3A_501 : i32
      %get3A_503 = arith.index_cast %add3A_502 : i32 to index
      %get3A_504 = tpu.vector_load %arg8[%get3A_503] {strides = array<i32>} : memref<32768xi32, #tpu.memory_space<vmem>>, vector<16xi32>,
      %broadcast_in_dim3A_505 = arith.constant true
      %broadcast_in_dim3A_506 = vector.broadcast %broadcast_in_dim3A_505 : i1 to vector<16xi1>
      %masked_cumsum3A_507 = tpu.scan <sum>, %get3A_504 masked %broadcast_in_dim3A_506 : vector<16xi32>, vector<16xi1> -> vector<16xi32>
      %add3A_508 = arith.addi %gather3A_480, %masked_cumsum3A_507 : vector<16xi32>
      %sub3A_509 = arith.subi %add3A_508, %get3A_504 : vector<16xi32>
      %add3A_510 = arith.addi %gather3A_480, %masked_cumsum3A_507 : vector<16xi32>
      %broadcast_in_dim3A_511 = arith.constant 15 : i32
      %broadcast_in_dim3A_512 = vector.broadcast %broadcast_in_dim3A_511 : i32 to vector<16xi32>
      %broadcast_in_dim3A_513 = vector.shape_cast %broadcast_in_dim3A_512 : vector<16xi32> to vector<16x1xi32>
      %gather3A_514 = vector.shape_cast %broadcast_in_dim3A_513 : vector<16x1xi32> to vector<16xi32>
      %gather3A_515 = tpu.dynamic_gather %add3A_510[%gather3A_514] in [0] : vector<16xi32>, vector<16xi32> -> vector<16xi32>
      %min3A_516 = arith.minsi %get3A_504, %broadcast_in_dim3A_13 : vector<16xi32>
      %broadcast_in_dim3A_517 = arith.constant true
      %broadcast_in_dim3A_518 = vector.broadcast %broadcast_in_dim3A_517 : i1 to vector<16xi1>
      %masked_cumsum3A_519 = tpu.scan <sum>, %min3A_516 masked %broadcast_in_dim3A_518 : vector<16xi32>, vector<16xi1> -> vector<16xi32>
      %add3A_520 = arith.addi %gather3A_498, %masked_cumsum3A_519 : vector<16xi32>
      %sub3A_521 = arith.subi %add3A_520, %broadcast_in_dim3A_23 : vector<16xi32>
      %mul3A_522 = arith.muli %sub3A_521, %min3A_516 : vector<16xi32>
      %add3A_523 = arith.addi %mul3A_522, %broadcast_in_dim3A_25 : vector<16xi32>
      %broadcast_in_dim3A_524 = arith.constant 192 : i32
      %broadcast_in_dim3A_525 = vector.broadcast %broadcast_in_dim3A_524 : i32 to vector<16xi32>
      %add3A_526 = arith.addi %iota3A, %broadcast_in_dim3A_525 : vector<16xi32>
      tpu.vector_store_idx %arg12[%add3A_523], %add3A_526 : memref<512xi32, #tpu.memory_space<vmem>>[vector<16xi32>], vector<16xi32>,
      %min3A_527 = arith.minsi %sub3A_509, %broadcast_in_dim3A_15 : vector<16xi32>
      tpu.vector_store_idx %arg13[%add3A_523], %min3A_527 : memref<512xi32, #tpu.memory_space<vmem>>[vector<16xi32>], vector<16xi32>,
      %add3A_528 = arith.addi %gather3A_498, %masked_cumsum3A_519 : vector<16xi32>
      %broadcast_in_dim3A_529 = arith.constant 15 : i32
      %broadcast_in_dim3A_530 = vector.broadcast %broadcast_in_dim3A_529 : i32 to vector<16xi32>
      %broadcast_in_dim3A_531 = vector.shape_cast %broadcast_in_dim3A_530 : vector<16xi32> to vector<16x1xi32>
      %gather3A_532 = vector.shape_cast %broadcast_in_dim3A_531 : vector<16x1xi32> to vector<16xi32>
      %gather3A_533 = tpu.dynamic_gather %add3A_528[%gather3A_532] in [0] : vector<16xi32>, vector<16xi32> -> vector<16xi32>
      %mul3A_534 = arith.constant 256 : i32
      %mul3A_535 = arith.muli %scan3A_9, %mul3A_534 : i32
      %add3A_536 = arith.constant 208 : i32
      %add3A_537 = arith.addi %mul3A_535, %add3A_536 : i32
      %get3A_538 = arith.index_cast %add3A_537 : i32 to index
      %get3A_539 = tpu.vector_load %arg8[%get3A_538] {strides = array<i32>} : memref<32768xi32, #tpu.memory_space<vmem>>, vector<16xi32>,
      %broadcast_in_dim3A_540 = arith.constant true
      %broadcast_in_dim3A_541 = vector.broadcast %broadcast_in_dim3A_540 : i1 to vector<16xi1>
      %masked_cumsum3A_542 = tpu.scan <sum>, %get3A_539 masked %broadcast_in_dim3A_541 : vector<16xi32>, vector<16xi1> -> vector<16xi32>
      %add3A_543 = arith.addi %gather3A_515, %masked_cumsum3A_542 : vector<16xi32>
      %sub3A_544 = arith.subi %add3A_543, %get3A_539 : vector<16xi32>
      %add3A_545 = arith.addi %gather3A_515, %masked_cumsum3A_542 : vector<16xi32>
      %broadcast_in_dim3A_546 = arith.constant 15 : i32
      %broadcast_in_dim3A_547 = vector.broadcast %broadcast_in_dim3A_546 : i32 to vector<16xi32>
      %broadcast_in_dim3A_548 = vector.shape_cast %broadcast_in_dim3A_547 : vector<16xi32> to vector<16x1xi32>
      %gather3A_549 = vector.shape_cast %broadcast_in_dim3A_548 : vector<16x1xi32> to vector<16xi32>
      %gather3A_550 = tpu.dynamic_gather %add3A_545[%gather3A_549] in [0] : vector<16xi32>, vector<16xi32> -> vector<16xi32>
      %min3A_551 = arith.minsi %get3A_539, %broadcast_in_dim3A_13 : vector<16xi32>
      %broadcast_in_dim3A_552 = arith.constant true
      %broadcast_in_dim3A_553 = vector.broadcast %broadcast_in_dim3A_552 : i1 to vector<16xi1>
      %masked_cumsum3A_554 = tpu.scan <sum>, %min3A_551 masked %broadcast_in_dim3A_553 : vector<16xi32>, vector<16xi1> -> vector<16xi32>
      %add3A_555 = arith.addi %gather3A_533, %masked_cumsum3A_554 : vector<16xi32>
      %sub3A_556 = arith.subi %add3A_555, %broadcast_in_dim3A_23 : vector<16xi32>
      %mul3A_557 = arith.muli %sub3A_556, %min3A_551 : vector<16xi32>
      %add3A_558 = arith.addi %mul3A_557, %broadcast_in_dim3A_25 : vector<16xi32>
      %broadcast_in_dim3A_559 = arith.constant 208 : i32
      %broadcast_in_dim3A_560 = vector.broadcast %broadcast_in_dim3A_559 : i32 to vector<16xi32>
      %add3A_561 = arith.addi %iota3A, %broadcast_in_dim3A_560 : vector<16xi32>
      tpu.vector_store_idx %arg12[%add3A_558], %add3A_561 : memref<512xi32, #tpu.memory_space<vmem>>[vector<16xi32>], vector<16xi32>,
      %min3A_562 = arith.minsi %sub3A_544, %broadcast_in_dim3A_15 : vector<16xi32>
      tpu.vector_store_idx %arg13[%add3A_558], %min3A_562 : memref<512xi32, #tpu.memory_space<vmem>>[vector<16xi32>], vector<16xi32>,
      %add3A_563 = arith.addi %gather3A_533, %masked_cumsum3A_554 : vector<16xi32>
      %broadcast_in_dim3A_564 = arith.constant 15 : i32
      %broadcast_in_dim3A_565 = vector.broadcast %broadcast_in_dim3A_564 : i32 to vector<16xi32>
      %broadcast_in_dim3A_566 = vector.shape_cast %broadcast_in_dim3A_565 : vector<16xi32> to vector<16x1xi32>
      %gather3A_567 = vector.shape_cast %broadcast_in_dim3A_566 : vector<16x1xi32> to vector<16xi32>
      %gather3A_568 = tpu.dynamic_gather %add3A_563[%gather3A_567] in [0] : vector<16xi32>, vector<16xi32> -> vector<16xi32>
      %mul3A_569 = arith.constant 256 : i32
      %mul3A_570 = arith.muli %scan3A_9, %mul3A_569 : i32
      %add3A_571 = arith.constant 224 : i32
      %add3A_572 = arith.addi %mul3A_570, %add3A_571 : i32
      %get3A_573 = arith.index_cast %add3A_572 : i32 to index
      %get3A_574 = tpu.vector_load %arg8[%get3A_573] {strides = array<i32>} : memref<32768xi32, #tpu.memory_space<vmem>>, vector<16xi32>,
      %broadcast_in_dim3A_575 = arith.constant true
      %broadcast_in_dim3A_576 = vector.broadcast %broadcast_in_dim3A_575 : i1 to vector<16xi1>
      %masked_cumsum3A_577 = tpu.scan <sum>, %get3A_574 masked %broadcast_in_dim3A_576 : vector<16xi32>, vector<16xi1> -> vector<16xi32>
      %add3A_578 = arith.addi %gather3A_550, %masked_cumsum3A_577 : vector<16xi32>
      %sub3A_579 = arith.subi %add3A_578, %get3A_574 : vector<16xi32>
      %add3A_580 = arith.addi %gather3A_550, %masked_cumsum3A_577 : vector<16xi32>
      %broadcast_in_dim3A_581 = arith.constant 15 : i32
      %broadcast_in_dim3A_582 = vector.broadcast %broadcast_in_dim3A_581 : i32 to vector<16xi32>
      %broadcast_in_dim3A_583 = vector.shape_cast %broadcast_in_dim3A_582 : vector<16xi32> to vector<16x1xi32>
      %gather3A_584 = vector.shape_cast %broadcast_in_dim3A_583 : vector<16x1xi32> to vector<16xi32>
      %gather3A_585 = tpu.dynamic_gather %add3A_580[%gather3A_584] in [0] : vector<16xi32>, vector<16xi32> -> vector<16xi32>
      %min3A_586 = arith.minsi %get3A_574, %broadcast_in_dim3A_13 : vector<16xi32>
      %broadcast_in_dim3A_587 = arith.constant true
      %broadcast_in_dim3A_588 = vector.broadcast %broadcast_in_dim3A_587 : i1 to vector<16xi1>
      %masked_cumsum3A_589 = tpu.scan <sum>, %min3A_586 masked %broadcast_in_dim3A_588 : vector<16xi32>, vector<16xi1> -> vector<16xi32>
      %add3A_590 = arith.addi %gather3A_568, %masked_cumsum3A_589 : vector<16xi32>
      %sub3A_591 = arith.subi %add3A_590, %broadcast_in_dim3A_23 : vector<16xi32>
      %mul3A_592 = arith.muli %sub3A_591, %min3A_586 : vector<16xi32>
      %add3A_593 = arith.addi %mul3A_592, %broadcast_in_dim3A_25 : vector<16xi32>
      %broadcast_in_dim3A_594 = arith.constant 224 : i32
      %broadcast_in_dim3A_595 = vector.broadcast %broadcast_in_dim3A_594 : i32 to vector<16xi32>
      %add3A_596 = arith.addi %iota3A, %broadcast_in_dim3A_595 : vector<16xi32>
      tpu.vector_store_idx %arg12[%add3A_593], %add3A_596 : memref<512xi32, #tpu.memory_space<vmem>>[vector<16xi32>], vector<16xi32>,
      %min3A_597 = arith.minsi %sub3A_579, %broadcast_in_dim3A_15 : vector<16xi32>
      tpu.vector_store_idx %arg13[%add3A_593], %min3A_597 : memref<512xi32, #tpu.memory_space<vmem>>[vector<16xi32>], vector<16xi32>,
      %add3A_598 = arith.addi %gather3A_568, %masked_cumsum3A_589 : vector<16xi32>
      %broadcast_in_dim3A_599 = arith.constant 15 : i32
      %broadcast_in_dim3A_600 = vector.broadcast %broadcast_in_dim3A_599 : i32 to vector<16xi32>
      %broadcast_in_dim3A_601 = vector.shape_cast %broadcast_in_dim3A_600 : vector<16xi32> to vector<16x1xi32>
      %gather3A_602 = vector.shape_cast %broadcast_in_dim3A_601 : vector<16x1xi32> to vector<16xi32>
      %gather3A_603 = tpu.dynamic_gather %add3A_598[%gather3A_602] in [0] : vector<16xi32>, vector<16xi32> -> vector<16xi32>
      %mul3A_604 = arith.constant 256 : i32
      %mul3A_605 = arith.muli %scan3A_9, %mul3A_604 : i32
      %add3A_606 = arith.constant 240 : i32
      %add3A_607 = arith.addi %mul3A_605, %add3A_606 : i32
      %get3A_608 = arith.index_cast %add3A_607 : i32 to index
      %get3A_609 = tpu.vector_load %arg8[%get3A_608] {strides = array<i32>} : memref<32768xi32, #tpu.memory_space<vmem>>, vector<16xi32>,
      %broadcast_in_dim3A_610 = arith.constant true
      %broadcast_in_dim3A_611 = vector.broadcast %broadcast_in_dim3A_610 : i1 to vector<16xi1>
      %masked_cumsum3A_612 = tpu.scan <sum>, %get3A_609 masked %broadcast_in_dim3A_611 : vector<16xi32>, vector<16xi1> -> vector<16xi32>
      %add3A_613 = arith.addi %gather3A_585, %masked_cumsum3A_612 : vector<16xi32>
      %sub3A_614 = arith.subi %add3A_613, %get3A_609 : vector<16xi32>
      %add3A_615 = arith.addi %gather3A_585, %masked_cumsum3A_612 : vector<16xi32>
      %broadcast_in_dim3A_616 = arith.constant 15 : i32
      %broadcast_in_dim3A_617 = vector.broadcast %broadcast_in_dim3A_616 : i32 to vector<16xi32>
      %broadcast_in_dim3A_618 = vector.shape_cast %broadcast_in_dim3A_617 : vector<16xi32> to vector<16x1xi32>
      %gather3A_619 = vector.shape_cast %broadcast_in_dim3A_618 : vector<16x1xi32> to vector<16xi32>
      %gather3A_620 = tpu.dynamic_gather %add3A_615[%gather3A_619] in [0] : vector<16xi32>, vector<16xi32> -> vector<16xi32>
      %min3A_621 = arith.minsi %get3A_609, %broadcast_in_dim3A_13 : vector<16xi32>
      %broadcast_in_dim3A_622 = arith.constant true
      %broadcast_in_dim3A_623 = vector.broadcast %broadcast_in_dim3A_622 : i1 to vector<16xi1>
      %masked_cumsum3A_624 = tpu.scan <sum>, %min3A_621 masked %broadcast_in_dim3A_623 : vector<16xi32>, vector<16xi1> -> vector<16xi32>
      %add3A_625 = arith.addi %gather3A_603, %masked_cumsum3A_624 : vector<16xi32>
      %sub3A_626 = arith.subi %add3A_625, %broadcast_in_dim3A_23 : vector<16xi32>
      %mul3A_627 = arith.muli %sub3A_626, %min3A_621 : vector<16xi32>
      %add3A_628 = arith.addi %mul3A_627, %broadcast_in_dim3A_25 : vector<16xi32>
      %broadcast_in_dim3A_629 = arith.constant 240 : i32
      %broadcast_in_dim3A_630 = vector.broadcast %broadcast_in_dim3A_629 : i32 to vector<16xi32>
      %add3A_631 = arith.addi %iota3A, %broadcast_in_dim3A_630 : vector<16xi32>
      tpu.vector_store_idx %arg12[%add3A_628], %add3A_631 : memref<512xi32, #tpu.memory_space<vmem>>[vector<16xi32>], vector<16xi32>,
      %min3A_632 = arith.minsi %sub3A_614, %broadcast_in_dim3A_15 : vector<16xi32>
      tpu.vector_store_idx %arg13[%add3A_628], %min3A_632 : memref<512xi32, #tpu.memory_space<vmem>>[vector<16xi32>], vector<16xi32>,
      %add3A_633 = arith.addi %gather3A_603, %masked_cumsum3A_624 : vector<16xi32>
      %broadcast_in_dim3A_634 = arith.constant 15 : i32
      %broadcast_in_dim3A_635 = vector.broadcast %broadcast_in_dim3A_634 : i32 to vector<16xi32>
      %broadcast_in_dim3A_636 = vector.shape_cast %broadcast_in_dim3A_635 : vector<16xi32> to vector<16x1xi32>
      %gather3A_637 = vector.shape_cast %broadcast_in_dim3A_636 : vector<16x1xi32> to vector<16xi32>
      %gather3A_638 = tpu.dynamic_gather %add3A_633[%gather3A_637] in [0] : vector<16xi32>, vector<16xi32> -> vector<16xi32>
      %slice3A = vector.extract_strided_slice %gather3A_638 {offsets = [0], sizes = [1], strides = [1]} : vector<16xi32> to vector<1xi32>
      %squeeze3A = vector.extract %slice3A[0] : i32 from vector<1xi32>
      %while3A = arith.constant 0 : i32
      %while3A_639 = arith.constant 0 : i32
      %while3A_640 = arith.subi %squeeze3A, %while3A : i32
      %while3A_641 = arith.addi %while3A, %while3A_640 : i32
      %while3A_642 = arith.constant 1 : i32
      %while3A_643 = arith.divsi %while3A_640, %while3A_642 : i32
      %while3A_644 = arith.muli %while3A_643, %while3A_642 : i32
      %while3A_645 = arith.addi %while3A, %while3A_644 : i32
      %while3A_646 = arith.constant 1 : i32
      %while3A_647 = scf.for %while3A_729 = %while3A to %while3A_645 step %while3A_646 iter_args(%while3A_730 = %while3A_639) -> (i32)  : i32 {
        %get3A_731 = arith.index_cast %while3A_729 : i32 to index
        %get3A_732 = tpu.vector_load %arg12[%get3A_731] {strides = array<i32>} : memref<512xi32, #tpu.memory_space<vmem>>, vector<16xi32>,
        %slice3A_733 = vector.extract_strided_slice %get3A_732 {offsets = [0], sizes = [1], strides = [1]} : vector<16xi32> to vector<1xi32>
        %squeeze3A_734 = vector.extract %slice3A_733[0] : i32 from vector<1xi32>
        %get3A_735 = arith.index_cast %while3A_729 : i32 to index
        %get3A_736 = tpu.vector_load %arg13[%get3A_735] {strides = array<i32>} : memref<512xi32, #tpu.memory_space<vmem>>, vector<16xi32>,
        %slice3A_737 = vector.extract_strided_slice %get3A_736 {offsets = [0], sizes = [1], strides = [1]} : vector<16xi32> to vector<1xi32>
        %squeeze3A_738 = vector.extract %slice3A_737[0] : i32 from vector<1xi32>
        %mul3A_739 = arith.constant 16 : i32
        %mul3A_740 = arith.muli %mul3A_739, %squeeze3A_734 : i32
        %get3A_741 = arith.index_cast %mul3A_740 : i32 to index
        %get3A_742 = tpu.vector_load %arg7[%get3A_741] {strides = array<i32>} : memref<4096xf32, #tpu.memory_space<vmem>>, vector<16xf32>,
        %sub3A_743 = arith.subf %broadcast_in_dim3A_17, %get3A_742 : vector<16xf32>
        %sign3A = tpu.bitcast %sub3A_743 : vector<16xf32> -> vector<16xi32>
        %sign3A_744 = arith.constant -2147483648 : i32
        %sign3A_745 = vector.broadcast %sign3A_744 : i32 to vector<16xi32>
        %sign3A_746 = arith.andi %sign3A, %sign3A_745 : vector<16xi32>
        %sign3A_747 = arith.constant 1065353216 : i32
        %sign3A_748 = vector.broadcast %sign3A_747 : i32 to vector<16xi32>
        %sign3A_749 = arith.ori %sign3A_748, %sign3A_746 : vector<16xi32>
        %sign3A_750 = tpu.bitcast %sign3A_749 : vector<16xi32> -> vector<16xf32>
        %sign3A_751 = math.absf %sub3A_743 : vector<16xf32>
        %sign3A_752 = arith.constant 0.000000e+00 : f32
        %sign3A_753 = vector.broadcast %sign3A_752 : f32 to vector<16xf32>
        %sign3A_754 = arith.cmpf ogt, %sign3A_751, %sign3A_753 : vector<16xf32>
        %sign3A_755 = arith.select %sign3A_754, %sign3A_750, %sub3A_743 : vector<16xi1>, vector<16xf32>
        %max3A = arith.constant 0.000000e+00 : f32
        %max3A_756 = vector.broadcast %max3A : f32 to vector<16xf32>
        %max3A_757 = arith.maximumf %sign3A_755, %max3A_756 : vector<16xf32>
        %convert_element_type3A = arith.fptosi %max3A_757 : vector<16xf32> to vector<16xi32>
        %broadcast_in_dim3A_758 = arith.constant true
        %broadcast_in_dim3A_759 = vector.broadcast %broadcast_in_dim3A_758 : i1 to vector<16xi1>
        %masked_cumsum3A_760 = tpu.scan <sum>, %convert_element_type3A masked %broadcast_in_dim3A_759 : vector<16xi32>, vector<16xi1> -> vector<16xi32>
        %broadcast_in_dim3A_761 = vector.broadcast %squeeze3A_738 : i32 to vector<16xi32>
        %add3A_762 = arith.addi %broadcast_in_dim3A_761, %masked_cumsum3A_760 : vector<16xi32>
        %sub3A_763 = arith.subi %add3A_762, %broadcast_in_dim3A_19 : vector<16xi32>
        %mul3A_764 = arith.muli %sub3A_763, %convert_element_type3A : vector<16xi32>
        %add3A_765 = arith.addi %mul3A_764, %broadcast_in_dim3A_21 : vector<16xi32>
        tpu.vector_store_idx %arg10[%add3A_765], %get3A_742 : memref<256xf32, #tpu.memory_space<vmem>>[vector<16xi32>], vector<16xf32>,
        %mul3A_766 = arith.constant 16 : i32
        %mul3A_767 = arith.muli %mul3A_766, %squeeze3A_734 : i32
        %get3A_768 = arith.index_cast %mul3A_767 : i32 to index
        %get3A_769 = tpu.vector_load %arg9[%get3A_768] {strides = array<i32>} : memref<4096xi32, #tpu.memory_space<vmem>>, vector<16xi32>,
        tpu.vector_store_idx %arg11[%add3A_765], %get3A_769 : memref<256xi32, #tpu.memory_space<vmem>>[vector<16xi32>], vector<16xi32>,
        %while3A_770 = arith.constant 0 : i32
        scf.yield %while3A_770 : i32
      }
      %while3A_648 = arith.constant 1 : i32
      %while3A_649 = scf.for %while3A_729 = %while3A_645 to %while3A_641 step %while3A_648 iter_args(%while3A_730 = %while3A_647) -> (i32)  : i32 {
        %get3A_731 = arith.index_cast %while3A_729 : i32 to index
        %get3A_732 = tpu.vector_load %arg12[%get3A_731] {strides = array<i32>} : memref<512xi32, #tpu.memory_space<vmem>>, vector<16xi32>,
        %slice3A_733 = vector.extract_strided_slice %get3A_732 {offsets = [0], sizes = [1], strides = [1]} : vector<16xi32> to vector<1xi32>
        %squeeze3A_734 = vector.extract %slice3A_733[0] : i32 from vector<1xi32>
        %get3A_735 = arith.index_cast %while3A_729 : i32 to index
        %get3A_736 = tpu.vector_load %arg13[%get3A_735] {strides = array<i32>} : memref<512xi32, #tpu.memory_space<vmem>>, vector<16xi32>,
        %slice3A_737 = vector.extract_strided_slice %get3A_736 {offsets = [0], sizes = [1], strides = [1]} : vector<16xi32> to vector<1xi32>
        %squeeze3A_738 = vector.extract %slice3A_737[0] : i32 from vector<1xi32>
        %mul3A_739 = arith.constant 16 : i32
        %mul3A_740 = arith.muli %mul3A_739, %squeeze3A_734 : i32
        %get3A_741 = arith.index_cast %mul3A_740 : i32 to index
        %get3A_742 = tpu.vector_load %arg7[%get3A_741] {strides = array<i32>} : memref<4096xf32, #tpu.memory_space<vmem>>, vector<16xf32>,
        %sub3A_743 = arith.subf %broadcast_in_dim3A_17, %get3A_742 : vector<16xf32>
        %sign3A = tpu.bitcast %sub3A_743 : vector<16xf32> -> vector<16xi32>
        %sign3A_744 = arith.constant -2147483648 : i32
        %sign3A_745 = vector.broadcast %sign3A_744 : i32 to vector<16xi32>
        %sign3A_746 = arith.andi %sign3A, %sign3A_745 : vector<16xi32>
        %sign3A_747 = arith.constant 1065353216 : i32
        %sign3A_748 = vector.broadcast %sign3A_747 : i32 to vector<16xi32>
        %sign3A_749 = arith.ori %sign3A_748, %sign3A_746 : vector<16xi32>
        %sign3A_750 = tpu.bitcast %sign3A_749 : vector<16xi32> -> vector<16xf32>
        %sign3A_751 = math.absf %sub3A_743 : vector<16xf32>
        %sign3A_752 = arith.constant 0.000000e+00 : f32
        %sign3A_753 = vector.broadcast %sign3A_752 : f32 to vector<16xf32>
        %sign3A_754 = arith.cmpf ogt, %sign3A_751, %sign3A_753 : vector<16xf32>
        %sign3A_755 = arith.select %sign3A_754, %sign3A_750, %sub3A_743 : vector<16xi1>, vector<16xf32>
        %max3A = arith.constant 0.000000e+00 : f32
        %max3A_756 = vector.broadcast %max3A : f32 to vector<16xf32>
        %max3A_757 = arith.maximumf %sign3A_755, %max3A_756 : vector<16xf32>
        %convert_element_type3A = arith.fptosi %max3A_757 : vector<16xf32> to vector<16xi32>
        %broadcast_in_dim3A_758 = arith.constant true
        %broadcast_in_dim3A_759 = vector.broadcast %broadcast_in_dim3A_758 : i1 to vector<16xi1>
        %masked_cumsum3A_760 = tpu.scan <sum>, %convert_element_type3A masked %broadcast_in_dim3A_759 : vector<16xi32>, vector<16xi1> -> vector<16xi32>
        %broadcast_in_dim3A_761 = vector.broadcast %squeeze3A_738 : i32 to vector<16xi32>
        %add3A_762 = arith.addi %broadcast_in_dim3A_761, %masked_cumsum3A_760 : vector<16xi32>
        %sub3A_763 = arith.subi %add3A_762, %broadcast_in_dim3A_19 : vector<16xi32>
        %mul3A_764 = arith.muli %sub3A_763, %convert_element_type3A : vector<16xi32>
        %add3A_765 = arith.addi %mul3A_764, %broadcast_in_dim3A_21 : vector<16xi32>
        tpu.vector_store_idx %arg10[%add3A_765], %get3A_742 : memref<256xf32, #tpu.memory_space<vmem>>[vector<16xi32>], vector<16xf32>,
        %mul3A_766 = arith.constant 16 : i32
        %mul3A_767 = arith.muli %mul3A_766, %squeeze3A_734 : i32
        %get3A_768 = arith.index_cast %mul3A_767 : i32 to index
        %get3A_769 = tpu.vector_load %arg9[%get3A_768] {strides = array<i32>} : memref<4096xi32, #tpu.memory_space<vmem>>, vector<16xi32>,
        tpu.vector_store_idx %arg11[%add3A_765], %get3A_769 : memref<256xi32, #tpu.memory_space<vmem>>[vector<16xi32>], vector<16xi32>,
        %while3A_770 = arith.constant 0 : i32
        scf.yield %while3A_770 : i32
      }
      %broadcast_in_dim3A_650 = vector.broadcast %scan3A_9 : i32 to vector<16xi32>
      %broadcast_in_dim3A_651 = arith.constant 0 : i32
      %broadcast_in_dim3A_652 = vector.broadcast %broadcast_in_dim3A_651 : i32 to vector<16xi32>
      %add3A_653 = arith.addi %iota3A, %broadcast_in_dim3A_652 : vector<16xi32>
      %mul3A_654 = arith.constant 128 : i32
      %mul3A_655 = vector.broadcast %mul3A_654 : i32 to vector<16xi32>
      %mul3A_656 = arith.muli %add3A_653, %mul3A_655 : vector<16xi32>
      %add3A_657 = arith.addi %mul3A_656, %broadcast_in_dim3A_650 : vector<16xi32>
      %get3A_658 = arith.constant 0 : index
      %get3A_659 = tpu.vector_load %arg10[%get3A_658] {strides = array<i32>} : memref<256xf32, #tpu.memory_space<vmem>>, vector<16xf32>,
      tpu.vector_store_idx %arg15[%add3A_657], %get3A_659 : memref<14336xf32, #tpu.memory_space<vmem>>[vector<16xi32>], vector<16xf32>,
      %get3A_660 = arith.constant 0 : index
      %get3A_661 = tpu.vector_load %arg11[%get3A_660] {strides = array<i32>} : memref<256xi32, #tpu.memory_space<vmem>>, vector<16xi32>,
      tpu.vector_store_idx %arg16[%add3A_657], %get3A_661 : memref<14336xi32, #tpu.memory_space<vmem>>[vector<16xi32>], vector<16xi32>,
      %broadcast_in_dim3A_662 = arith.constant 16 : i32
      %broadcast_in_dim3A_663 = vector.broadcast %broadcast_in_dim3A_662 : i32 to vector<16xi32>
      %add3A_664 = arith.addi %iota3A, %broadcast_in_dim3A_663 : vector<16xi32>
      %mul3A_665 = arith.constant 128 : i32
      %mul3A_666 = vector.broadcast %mul3A_665 : i32 to vector<16xi32>
      %mul3A_667 = arith.muli %add3A_664, %mul3A_666 : vector<16xi32>
      %add3A_668 = arith.addi %mul3A_667, %broadcast_in_dim3A_650 : vector<16xi32>
      %get3A_669 = arith.constant 16 : index
      %get3A_670 = tpu.vector_load %arg10[%get3A_669] {strides = array<i32>} : memref<256xf32, #tpu.memory_space<vmem>>, vector<16xf32>,
      tpu.vector_store_idx %arg15[%add3A_668], %get3A_670 : memref<14336xf32, #tpu.memory_space<vmem>>[vector<16xi32>], vector<16xf32>,
      %get3A_671 = arith.constant 16 : index
      %get3A_672 = tpu.vector_load %arg11[%get3A_671] {strides = array<i32>} : memref<256xi32, #tpu.memory_space<vmem>>, vector<16xi32>,
      tpu.vector_store_idx %arg16[%add3A_668], %get3A_672 : memref<14336xi32, #tpu.memory_space<vmem>>[vector<16xi32>], vector<16xi32>,
      %broadcast_in_dim3A_673 = arith.constant 32 : i32
      %broadcast_in_dim3A_674 = vector.broadcast %broadcast_in_dim3A_673 : i32 to vector<16xi32>
      %add3A_675 = arith.addi %iota3A, %broadcast_in_dim3A_674 : vector<16xi32>
      %mul3A_676 = arith.constant 128 : i32
      %mul3A_677 = vector.broadcast %mul3A_676 : i32 to vector<16xi32>
      %mul3A_678 = arith.muli %add3A_675, %mul3A_677 : vector<16xi32>
      %add3A_679 = arith.addi %mul3A_678, %broadcast_in_dim3A_650 : vector<16xi32>
      %get3A_680 = arith.constant 32 : index
      %get3A_681 = tpu.vector_load %arg10[%get3A_680] {strides = array<i32>} : memref<256xf32, #tpu.memory_space<vmem>>, vector<16xf32>,
      tpu.vector_store_idx %arg15[%add3A_679], %get3A_681 : memref<14336xf32, #tpu.memory_space<vmem>>[vector<16xi32>], vector<16xf32>,
      %get3A_682 = arith.constant 32 : index
      %get3A_683 = tpu.vector_load %arg11[%get3A_682] {strides = array<i32>} : memref<256xi32, #tpu.memory_space<vmem>>, vector<16xi32>,
      tpu.vector_store_idx %arg16[%add3A_679], %get3A_683 : memref<14336xi32, #tpu.memory_space<vmem>>[vector<16xi32>], vector<16xi32>,
      %broadcast_in_dim3A_684 = arith.constant 48 : i32
      %broadcast_in_dim3A_685 = vector.broadcast %broadcast_in_dim3A_684 : i32 to vector<16xi32>
      %add3A_686 = arith.addi %iota3A, %broadcast_in_dim3A_685 : vector<16xi32>
      %mul3A_687 = arith.constant 128 : i32
      %mul3A_688 = vector.broadcast %mul3A_687 : i32 to vector<16xi32>
      %mul3A_689 = arith.muli %add3A_686, %mul3A_688 : vector<16xi32>
      %add3A_690 = arith.addi %mul3A_689, %broadcast_in_dim3A_650 : vector<16xi32>
      %get3A_691 = arith.constant 48 : index
      %get3A_692 = tpu.vector_load %arg10[%get3A_691] {strides = array<i32>} : memref<256xf32, #tpu.memory_space<vmem>>, vector<16xf32>,
      tpu.vector_store_idx %arg15[%add3A_690], %get3A_692 : memref<14336xf32, #tpu.memory_space<vmem>>[vector<16xi32>], vector<16xf32>,
      %get3A_693 = arith.constant 48 : index
      %get3A_694 = tpu.vector_load %arg11[%get3A_693] {strides = array<i32>} : memref<256xi32, #tpu.memory_space<vmem>>, vector<16xi32>,
      tpu.vector_store_idx %arg16[%add3A_690], %get3A_694 : memref<14336xi32, #tpu.memory_space<vmem>>[vector<16xi32>], vector<16xi32>,
      %broadcast_in_dim3A_695 = arith.constant 64 : i32
      %broadcast_in_dim3A_696 = vector.broadcast %broadcast_in_dim3A_695 : i32 to vector<16xi32>
      %add3A_697 = arith.addi %iota3A, %broadcast_in_dim3A_696 : vector<16xi32>
      %mul3A_698 = arith.constant 128 : i32
      %mul3A_699 = vector.broadcast %mul3A_698 : i32 to vector<16xi32>
      %mul3A_700 = arith.muli %add3A_697, %mul3A_699 : vector<16xi32>
      %add3A_701 = arith.addi %mul3A_700, %broadcast_in_dim3A_650 : vector<16xi32>
      %get3A_702 = arith.constant 64 : index
      %get3A_703 = tpu.vector_load %arg10[%get3A_702] {strides = array<i32>} : memref<256xf32, #tpu.memory_space<vmem>>, vector<16xf32>,
      tpu.vector_store_idx %arg15[%add3A_701], %get3A_703 : memref<14336xf32, #tpu.memory_space<vmem>>[vector<16xi32>], vector<16xf32>,
      %get3A_704 = arith.constant 64 : index
      %get3A_705 = tpu.vector_load %arg11[%get3A_704] {strides = array<i32>} : memref<256xi32, #tpu.memory_space<vmem>>, vector<16xi32>,
      tpu.vector_store_idx %arg16[%add3A_701], %get3A_705 : memref<14336xi32, #tpu.memory_space<vmem>>[vector<16xi32>], vector<16xi32>,
      %broadcast_in_dim3A_706 = arith.constant 80 : i32
      %broadcast_in_dim3A_707 = vector.broadcast %broadcast_in_dim3A_706 : i32 to vector<16xi32>
      %add3A_708 = arith.addi %iota3A, %broadcast_in_dim3A_707 : vector<16xi32>
      %mul3A_709 = arith.constant 128 : i32
      %mul3A_710 = vector.broadcast %mul3A_709 : i32 to vector<16xi32>
      %mul3A_711 = arith.muli %add3A_708, %mul3A_710 : vector<16xi32>
      %add3A_712 = arith.addi %mul3A_711, %broadcast_in_dim3A_650 : vector<16xi32>
      %get3A_713 = arith.constant 80 : index
      %get3A_714 = tpu.vector_load %arg10[%get3A_713] {strides = array<i32>} : memref<256xf32, #tpu.memory_space<vmem>>, vector<16xf32>,
      tpu.vector_store_idx %arg15[%add3A_712], %get3A_714 : memref<14336xf32, #tpu.memory_space<vmem>>[vector<16xi32>], vector<16xf32>,
      %get3A_715 = arith.constant 80 : index
      %get3A_716 = tpu.vector_load %arg11[%get3A_715] {strides = array<i32>} : memref<256xi32, #tpu.memory_space<vmem>>, vector<16xi32>,
      tpu.vector_store_idx %arg16[%add3A_712], %get3A_716 : memref<14336xi32, #tpu.memory_space<vmem>>[vector<16xi32>], vector<16xi32>,
      %broadcast_in_dim3A_717 = arith.constant 96 : i32
      %broadcast_in_dim3A_718 = vector.broadcast %broadcast_in_dim3A_717 : i32 to vector<16xi32>
      %add3A_719 = arith.addi %iota3A, %broadcast_in_dim3A_718 : vector<16xi32>
      %mul3A_720 = arith.constant 128 : i32
      %mul3A_721 = vector.broadcast %mul3A_720 : i32 to vector<16xi32>
      %mul3A_722 = arith.muli %add3A_719, %mul3A_721 : vector<16xi32>
      %add3A_723 = arith.addi %mul3A_722, %broadcast_in_dim3A_650 : vector<16xi32>
      %get3A_724 = arith.constant 96 : index
      %get3A_725 = tpu.vector_load %arg10[%get3A_724] {strides = array<i32>} : memref<256xf32, #tpu.memory_space<vmem>>, vector<16xf32>,
      tpu.vector_store_idx %arg15[%add3A_723], %get3A_725 : memref<14336xf32, #tpu.memory_space<vmem>>[vector<16xi32>], vector<16xf32>,
      %get3A_726 = arith.constant 96 : index
      %get3A_727 = tpu.vector_load %arg11[%get3A_726] {strides = array<i32>} : memref<256xi32, #tpu.memory_space<vmem>>, vector<16xi32>,
      tpu.vector_store_idx %arg16[%add3A_723], %get3A_727 : memref<14336xi32, #tpu.memory_space<vmem>>[vector<16xi32>], vector<16xi32>,
      %scan3A_728 = arith.constant 0 : i32
      scf.yield %scan3A_728 : i32
    }
    %scan3A_8 = arith.constant 128 : i32
    "tpu.region"() ({
      %run_scoped3A = tpu.sem_alloc : memref<!tpu.dma_semaphore, #tpu.memory_space<semaphore_mem>>
      %dma_start3A = arith.constant 0 : i32
      %dma_start3A_9 = tpu.memref_slice %arg5[%add3A, %dma_start3A] : memref<32x14336xf32, #tpu.memory_space<hbm>> -> memref<1x14336xf32, #tpu.memory_space<hbm>>
      %dma_start3A_10 = tpu.memref_squeeze %dma_start3A_9 : memref<1x14336xf32, #tpu.memory_space<hbm>> -> memref<14336xf32, #tpu.memory_space<hbm>>
      %dma_start3A_11 = arith.constant 0 : i32
      %dma_start3A_12 = tpu.memref_slice %arg5[%add3A, %dma_start3A_11] : memref<32x14336xf32, #tpu.memory_space<hbm>> -> memref<1x14336xf32, #tpu.memory_space<hbm>>
      %dma_start3A_13 = tpu.memref_squeeze %dma_start3A_12 : memref<1x14336xf32, #tpu.memory_space<hbm>> -> memref<14336xf32, #tpu.memory_space<hbm>>
      tpu.enqueue_dma source(%arg15 : memref<14336xf32, #tpu.memory_space<vmem>>) target(%dma_start3A_13 : memref<14336xf32, #tpu.memory_space<hbm>>) target_semaphore(%run_scoped3A : memref<!tpu.dma_semaphore, #tpu.memory_space<semaphore_mem>>)
      %dma_wait3A = arith.constant 0 : i32
      %dma_wait3A_14 = tpu.memref_slice %arg5[%add3A, %dma_wait3A] : memref<32x14336xf32, #tpu.memory_space<hbm>> -> memref<1x14336xf32, #tpu.memory_space<hbm>>
      %dma_wait3A_15 = tpu.memref_squeeze %dma_wait3A_14 : memref<1x14336xf32, #tpu.memory_space<hbm>> -> memref<14336xf32, #tpu.memory_space<hbm>>
      %dma_wait3A_16 = arith.constant 0 : i32
      %dma_wait3A_17 = tpu.memref_slice %arg5[%add3A, %dma_wait3A_16] : memref<32x14336xf32, #tpu.memory_space<hbm>> -> memref<1x14336xf32, #tpu.memory_space<hbm>>
      %dma_wait3A_18 = tpu.memref_squeeze %dma_wait3A_17 : memref<1x14336xf32, #tpu.memory_space<hbm>> -> memref<14336xf32, #tpu.memory_space<hbm>>
      tpu.wait_dma2 semaphore(%run_scoped3A : memref<!tpu.dma_semaphore, #tpu.memory_space<semaphore_mem>>) src(%arg15 : memref<14336xf32, #tpu.memory_space<vmem>>) dst(%dma_wait3A_18 : memref<14336xf32, #tpu.memory_space<hbm>>)
      tpu.yield
    }) : () -> ()
    "tpu.region"() ({
      %run_scoped3A = tpu.sem_alloc : memref<!tpu.dma_semaphore, #tpu.memory_space<semaphore_mem>>
      %dma_start3A = arith.constant 0 : i32
      %dma_start3A_9 = tpu.memref_slice %arg6[%add3A, %dma_start3A] : memref<32x14336xi32, #tpu.memory_space<hbm>> -> memref<1x14336xi32, #tpu.memory_space<hbm>>
      %dma_start3A_10 = tpu.memref_squeeze %dma_start3A_9 : memref<1x14336xi32, #tpu.memory_space<hbm>> -> memref<14336xi32, #tpu.memory_space<hbm>>
      %dma_start3A_11 = arith.constant 0 : i32
      %dma_start3A_12 = tpu.memref_slice %arg6[%add3A, %dma_start3A_11] : memref<32x14336xi32, #tpu.memory_space<hbm>> -> memref<1x14336xi32, #tpu.memory_space<hbm>>
      %dma_start3A_13 = tpu.memref_squeeze %dma_start3A_12 : memref<1x14336xi32, #tpu.memory_space<hbm>> -> memref<14336xi32, #tpu.memory_space<hbm>>
      tpu.enqueue_dma source(%arg16 : memref<14336xi32, #tpu.memory_space<vmem>>) target(%dma_start3A_13 : memref<14336xi32, #tpu.memory_space<hbm>>) target_semaphore(%run_scoped3A : memref<!tpu.dma_semaphore, #tpu.memory_space<semaphore_mem>>)
      %dma_wait3A = arith.constant 0 : i32
      %dma_wait3A_14 = tpu.memref_slice %arg6[%add3A, %dma_wait3A] : memref<32x14336xi32, #tpu.memory_space<hbm>> -> memref<1x14336xi32, #tpu.memory_space<hbm>>
      %dma_wait3A_15 = tpu.memref_squeeze %dma_wait3A_14 : memref<1x14336xi32, #tpu.memory_space<hbm>> -> memref<14336xi32, #tpu.memory_space<hbm>>
      %dma_wait3A_16 = arith.constant 0 : i32
      %dma_wait3A_17 = tpu.memref_slice %arg6[%add3A, %dma_wait3A_16] : memref<32x14336xi32, #tpu.memory_space<hbm>> -> memref<1x14336xi32, #tpu.memory_space<hbm>>
      %dma_wait3A_18 = tpu.memref_squeeze %dma_wait3A_17 : memref<1x14336xi32, #tpu.memory_space<hbm>> -> memref<14336xi32, #tpu.memory_space<hbm>>
      tpu.wait_dma2 semaphore(%run_scoped3A : memref<!tpu.dma_semaphore, #tpu.memory_space<semaphore_mem>>) src(%arg16 : memref<14336xi32, #tpu.memory_space<vmem>>) dst(%dma_wait3A_18 : memref<14336xi32, #tpu.memory_space<hbm>>)
      tpu.yield
    }) : () -> ()
    return
  }
}

module attributes {stable_mosaic.version = 14 : i64} {
  func.func @_dist_kernel(%arg0: i32, %arg1: memref<1x16xf32, #tpu.memory_space<smem>>, %arg2: memref<8x128xf32, #tpu.memory_space<vmem>>, %arg3: memref<8x4096xf32, #tpu.memory_space<vmem>>, %arg4: memref<4096x256xf32, #tpu.memory_space<vmem>>, %arg5: memref<8x4096xf32, #tpu.memory_space<vmem>>, %arg6: memref<8x256xi32, #tpu.memory_space<vmem>>) attributes {dimension_semantics = [#tpu.dimension_semantics<arbitrary>], iteration_bounds = array<i64: 512>, scalar_prefetch = 0 : i64, scratch_operands = 0 : i64, tpu.core_type = #tpu.core_type<tc>, window_params = [{transform_indices = @transform_0, window_bounds = array<i64: 1, 16>}, {transform_indices = @transform_1, window_bounds = array<i64: 8, 128>}, {pipeline_mode = #tpu.pipeline_mode<synchronous>, transform_indices = @transform_2, window_bounds = array<i64: 8, 4096>}, {pipeline_mode = #tpu.pipeline_mode<synchronous>, transform_indices = @transform_3, window_bounds = array<i64: 4096, 256>}, {transform_indices = @transform_4, window_bounds = array<i64: 8, 4096>}, {transform_indices = @transform_5, window_bounds = array<i64: 8, 256>}]} {
    %get3A = arith.constant 0 : index
    %get3A_0 = arith.constant 0 : index
    %get3A_1 = vector.load %arg2[%get3A, %get3A_0] : memref<8x128xf32, #tpu.memory_space<vmem>>, vector<8x128xf32>
    %slice3A = vector.extract_strided_slice %get3A_1 {offsets = [0, 0], sizes = [8, 1], strides = [1, 1]} : vector<8x128xf32> to vector<8x1xf32>
    %get3A_2 = arith.constant 0 : index
    %get3A_3 = arith.constant 0 : index
    %get3A_4 = vector.load %arg3[%get3A_2, %get3A_3] : memref<8x4096xf32, #tpu.memory_space<vmem>>, vector<1x4096xf32>
    %sub3A = vector.broadcast %slice3A : vector<8x1xf32> to vector<8x4096xf32>
    %sub3A_5 = vector.broadcast %get3A_4 : vector<1x4096xf32> to vector<8x4096xf32>
    %sub3A_6 = arith.subf %sub3A, %sub3A_5 : vector<8x4096xf32>
    %slice3A_7 = vector.extract_strided_slice %get3A_1 {offsets = [0, 1], sizes = [8, 1], strides = [1, 1]} : vector<8x128xf32> to vector<8x1xf32>
    %get3A_8 = arith.constant 1 : index
    %get3A_9 = arith.constant 0 : index
    %get3A_10 = vector.load %arg3[%get3A_8, %get3A_9] : memref<8x4096xf32, #tpu.memory_space<vmem>>, vector<1x4096xf32>
    %sub3A_11 = vector.broadcast %slice3A_7 : vector<8x1xf32> to vector<8x4096xf32>
    %sub3A_12 = vector.broadcast %get3A_10 : vector<1x4096xf32> to vector<8x4096xf32>
    %sub3A_13 = arith.subf %sub3A_11, %sub3A_12 : vector<8x4096xf32>
    %slice3A_14 = vector.extract_strided_slice %get3A_1 {offsets = [0, 2], sizes = [8, 1], strides = [1, 1]} : vector<8x128xf32> to vector<8x1xf32>
    %get3A_15 = arith.constant 2 : index
    %get3A_16 = arith.constant 0 : index
    %get3A_17 = vector.load %arg3[%get3A_15, %get3A_16] : memref<8x4096xf32, #tpu.memory_space<vmem>>, vector<1x4096xf32>
    %sub3A_18 = vector.broadcast %slice3A_14 : vector<8x1xf32> to vector<8x4096xf32>
    %sub3A_19 = vector.broadcast %get3A_17 : vector<1x4096xf32> to vector<8x4096xf32>
    %sub3A_20 = arith.subf %sub3A_18, %sub3A_19 : vector<8x4096xf32>
    %round3A = math.roundeven %sub3A_6 : vector<8x4096xf32>
    %sub3A_21 = arith.subf %sub3A_6, %round3A : vector<8x4096xf32>
    %round3A_22 = math.roundeven %sub3A_13 : vector<8x4096xf32>
    %sub3A_23 = arith.subf %sub3A_13, %round3A_22 : vector<8x4096xf32>
    %round3A_24 = math.roundeven %sub3A_20 : vector<8x4096xf32>
    %sub3A_25 = arith.subf %sub3A_20, %round3A_24 : vector<8x4096xf32>
    %convert_element_type3A = arith.truncf %sub3A_21 : vector<8x4096xf32> to vector<8x4096xbf16>
    %convert_element_type3A_26 = arith.extf %convert_element_type3A : vector<8x4096xbf16> to vector<8x4096xf32>
    %convert_element_type3A_27 = arith.truncf %sub3A_23 : vector<8x4096xf32> to vector<8x4096xbf16>
    %convert_element_type3A_28 = arith.extf %convert_element_type3A_27 : vector<8x4096xbf16> to vector<8x4096xf32>
    %convert_element_type3A_29 = arith.truncf %sub3A_25 : vector<8x4096xf32> to vector<8x4096xbf16>
    %convert_element_type3A_30 = arith.extf %convert_element_type3A_29 : vector<8x4096xbf16> to vector<8x4096xf32>
    %get3A_31 = arith.constant 0 : index
    %get3A_32 = arith.constant 0 : index
    %get3A_33 = memref.load %arg1[%get3A_31, %get3A_32] : memref<1x16xf32, #tpu.memory_space<smem>>
    %mul3A = vector.broadcast %get3A_33 : f32 to vector<8x4096xf32>
    %mul3A_34 = arith.mulf %convert_element_type3A_26, %mul3A : vector<8x4096xf32>
    %get3A_35 = arith.constant 0 : index
    %get3A_36 = arith.constant 3 : index
    %get3A_37 = memref.load %arg1[%get3A_35, %get3A_36] : memref<1x16xf32, #tpu.memory_space<smem>>
    %mul3A_38 = vector.broadcast %get3A_37 : f32 to vector<8x4096xf32>
    %mul3A_39 = arith.mulf %convert_element_type3A_28, %mul3A_38 : vector<8x4096xf32>
    %add3A = arith.addf %mul3A_34, %mul3A_39 : vector<8x4096xf32>
    %get3A_40 = arith.constant 0 : index
    %get3A_41 = arith.constant 6 : index
    %get3A_42 = memref.load %arg1[%get3A_40, %get3A_41] : memref<1x16xf32, #tpu.memory_space<smem>>
    %mul3A_43 = vector.broadcast %get3A_42 : f32 to vector<8x4096xf32>
    %mul3A_44 = arith.mulf %convert_element_type3A_30, %mul3A_43 : vector<8x4096xf32>
    %add3A_45 = arith.addf %add3A, %mul3A_44 : vector<8x4096xf32>
    %get3A_46 = arith.constant 0 : index
    %get3A_47 = arith.constant 1 : index
    %get3A_48 = memref.load %arg1[%get3A_46, %get3A_47] : memref<1x16xf32, #tpu.memory_space<smem>>
    %mul3A_49 = vector.broadcast %get3A_48 : f32 to vector<8x4096xf32>
    %mul3A_50 = arith.mulf %convert_element_type3A_26, %mul3A_49 : vector<8x4096xf32>
    %get3A_51 = arith.constant 0 : index
    %get3A_52 = arith.constant 4 : index
    %get3A_53 = memref.load %arg1[%get3A_51, %get3A_52] : memref<1x16xf32, #tpu.memory_space<smem>>
    %mul3A_54 = vector.broadcast %get3A_53 : f32 to vector<8x4096xf32>
    %mul3A_55 = arith.mulf %convert_element_type3A_28, %mul3A_54 : vector<8x4096xf32>
    %add3A_56 = arith.addf %mul3A_50, %mul3A_55 : vector<8x4096xf32>
    %get3A_57 = arith.constant 0 : index
    %get3A_58 = arith.constant 7 : index
    %get3A_59 = memref.load %arg1[%get3A_57, %get3A_58] : memref<1x16xf32, #tpu.memory_space<smem>>
    %mul3A_60 = vector.broadcast %get3A_59 : f32 to vector<8x4096xf32>
    %mul3A_61 = arith.mulf %convert_element_type3A_30, %mul3A_60 : vector<8x4096xf32>
    %add3A_62 = arith.addf %add3A_56, %mul3A_61 : vector<8x4096xf32>
    %get3A_63 = arith.constant 0 : index
    %get3A_64 = arith.constant 2 : index
    %get3A_65 = memref.load %arg1[%get3A_63, %get3A_64] : memref<1x16xf32, #tpu.memory_space<smem>>
    %mul3A_66 = vector.broadcast %get3A_65 : f32 to vector<8x4096xf32>
    %mul3A_67 = arith.mulf %convert_element_type3A_26, %mul3A_66 : vector<8x4096xf32>
    %get3A_68 = arith.constant 0 : index
    %get3A_69 = arith.constant 5 : index
    %get3A_70 = memref.load %arg1[%get3A_68, %get3A_69] : memref<1x16xf32, #tpu.memory_space<smem>>
    %mul3A_71 = vector.broadcast %get3A_70 : f32 to vector<8x4096xf32>
    %mul3A_72 = arith.mulf %convert_element_type3A_28, %mul3A_71 : vector<8x4096xf32>
    %add3A_73 = arith.addf %mul3A_67, %mul3A_72 : vector<8x4096xf32>
    %get3A_74 = arith.constant 0 : index
    %get3A_75 = arith.constant 8 : index
    %get3A_76 = memref.load %arg1[%get3A_74, %get3A_75] : memref<1x16xf32, #tpu.memory_space<smem>>
    %mul3A_77 = vector.broadcast %get3A_76 : f32 to vector<8x4096xf32>
    %mul3A_78 = arith.mulf %convert_element_type3A_30, %mul3A_77 : vector<8x4096xf32>
    %add3A_79 = arith.addf %add3A_73, %mul3A_78 : vector<8x4096xf32>
    %mul3A_80 = arith.mulf %add3A_45, %add3A_45 : vector<8x4096xf32>
    %mul3A_81 = arith.mulf %add3A_62, %add3A_62 : vector<8x4096xf32>
    %add3A_82 = arith.addf %mul3A_80, %mul3A_81 : vector<8x4096xf32>
    %mul3A_83 = arith.mulf %add3A_79, %add3A_79 : vector<8x4096xf32>
    %add3A_84 = arith.addf %add3A_82, %mul3A_83 : vector<8x4096xf32>
    %iota3A = tpu.iota {dimensions = array<i32: 1>} : vector<1x4096xi32>
    %iota3A_85 = tpu.iota {dimensions = array<i32: 0>} : vector<8x1xi32>
    %mul3A_86 = arith.constant 8 : i32
    %mul3A_87 = arith.muli %arg0, %mul3A_86 : i32
    %add3A_88 = vector.broadcast %mul3A_87 : i32 to vector<8x1xi32>
    %add3A_89 = arith.addi %iota3A_85, %add3A_88 : vector<8x1xi32>
    %eq3A = vector.broadcast %iota3A : vector<1x4096xi32> to vector<8x4096xi32>
    %eq3A_90 = vector.broadcast %add3A_89 : vector<8x1xi32> to vector<8x4096xi32>
    %eq3A_91 = arith.cmpi eq, %eq3A, %eq3A_90 : vector<8x4096xi32>
    %jit3A = arith.constant 1.000000e+06 : f32
    %broadcast_in_dim3A = vector.broadcast %jit3A : f32 to vector<8x4096xf32>
    %select_n3A = arith.select %eq3A_91, %broadcast_in_dim3A, %add3A_84 : vector<8x4096xi1>, vector<8x4096xf32>
    %swap3A = arith.constant 0 : index
    %swap3A_92 = arith.constant 0 : index
    %swap3A_93 = vector.load %arg5[%swap3A, %swap3A_92] : memref<8x4096xf32, #tpu.memory_space<vmem>>, vector<8x4096xf32>
    tpu.vector_store %arg5[%swap3A, %swap3A_92], %select_n3A {strides = array<i32>} : memref<8x4096xf32, #tpu.memory_space<vmem>>, vector<8x4096xf32>,
    %lt3A = arith.constant 2.500000e+01 : f32
    %lt3A_94 = vector.broadcast %lt3A : f32 to vector<8x4096xf32>
    %lt3A_95 = arith.cmpf olt, %select_n3A, %lt3A_94 : vector<8x4096xf32>
    %jit3A_96 = arith.constant 1.000000e+00 : f32
    %jit3A_97 = arith.constant 0.000000e+00 : f32
    %broadcast_in_dim3A_98 = vector.broadcast %jit3A_96 : f32 to vector<8x4096xf32>
    %broadcast_in_dim3A_99 = vector.broadcast %jit3A_97 : f32 to vector<8x4096xf32>
    %select_n3A_100 = arith.select %lt3A_95, %broadcast_in_dim3A_98, %broadcast_in_dim3A_99 : vector<8x4096xi1>, vector<8x4096xf32>
    %get3A_101 = arith.constant 0 : index
    %get3A_102 = arith.constant 0 : index
    %get3A_103 = vector.load %arg4[%get3A_101, %get3A_102] : memref<4096x256xf32, #tpu.memory_space<vmem>>, vector<4096x256xf32>
    %dot_general3A = arith.constant dense<0.000000e+00> : vector<8x256xf32>
    %dot_general3A_104 = tpu.matmul %select_n3A_100, %get3A_103, %dot_general3A {dimension_numbers = #tpu.dot_dimension_numbers<[1], [0], [0], [1], [0, 0, 1, 1], [], []>, transpose_lhs_hint = false} : vector<8x4096xf32>, vector<4096x256xf32>, vector<8x256xf32> -> vector<8x256xf32>
    %convert_element_type3A_105 = arith.fptosi %dot_general3A_104 : vector<8x256xf32> to vector<8x256xi32>
    %swap3A_106 = arith.constant 0 : index
    %swap3A_107 = arith.constant 0 : index
    %swap3A_108 = vector.load %arg6[%swap3A_106, %swap3A_107] : memref<8x256xi32, #tpu.memory_space<vmem>>, vector<8x256xi32>
    tpu.vector_store %arg6[%swap3A_106, %swap3A_107], %convert_element_type3A_105 {strides = array<i32>} : memref<8x256xi32, #tpu.memory_space<vmem>>, vector<8x256xi32>,
    return
  }
  func.func @transform_0(%arg0: i32) -> (i32, i32) {
    %c0_i32 = arith.constant 0 : i32
    %c0_i32_0 = arith.constant 0 : i32
    %c0_i32_1 = arith.constant 0 : i32
    return %c0_i32, %c0_i32_0 : i32, i32
  }
  func.func @transform_1(%arg0: i32) -> (i32, i32) {
    %c0_i32 = arith.constant 0 : i32
    %c0_i32_0 = arith.constant 0 : i32
    return %arg0, %c0_i32 : i32, i32
  }
  func.func @transform_2(%arg0: i32) -> (i32, i32) {
    %c0_i32 = arith.constant 0 : i32
    %c0_i32_0 = arith.constant 0 : i32
    %c0_i32_1 = arith.constant 0 : i32
    return %c0_i32, %c0_i32_0 : i32, i32
  }
  func.func @transform_3(%arg0: i32) -> (i32, i32) {
    %c0_i32 = arith.constant 0 : i32
    %c0_i32_0 = arith.constant 0 : i32
    %c0_i32_1 = arith.constant 0 : i32
    return %c0_i32, %c0_i32_0 : i32, i32
  }
  func.func @transform_4(%arg0: i32) -> (i32, i32) {
    %c0_i32 = arith.constant 0 : i32
    %c0_i32_0 = arith.constant 0 : i32
    return %arg0, %c0_i32 : i32, i32
  }
  func.func @transform_5(%arg0: i32) -> (i32, i32) {
    %c0_i32 = arith.constant 0 : i32
    %c0_i32_0 = arith.constant 0 : i32
    return %arg0, %c0_i32 : i32, i32
  }
}

module attributes {stable_mosaic.version = 14 : i64} {
  func.func @_msg_kernel(%arg0: i32, %arg1: memref<8x4096xf32, #tpu.memory_space<vmem>>, %arg2: memref<8x4096xi32, #tpu.memory_space<vmem>>, %arg3: memref<128x8xf32, #tpu.memory_space<vmem>>, %arg4: memref<128x1xf32, #tpu.memory_space<vmem>>, %arg5: memref<1x128xf32, #tpu.memory_space<vmem>>, %arg6: memref<128x16xf32, #tpu.memory_space<vmem>>, %arg7: memref<1x1xf32, #tpu.memory_space<vmem>>, %arg8: memref<128x4096xf32, #tpu.memory_space<vmem>>) attributes {dimension_semantics = [#tpu.dimension_semantics<arbitrary>], iteration_bounds = array<i64: 14>, scalar_prefetch = 0 : i64, scratch_operands = 1 : i64, tpu.core_type = #tpu.core_type<tc>, window_params = [{transform_indices = @transform_0, window_bounds = array<i64: 8, 4096>}, {transform_indices = @transform_1, window_bounds = array<i64: 8, 4096>}, {pipeline_mode = #tpu.pipeline_mode<synchronous>, transform_indices = @transform_2, window_bounds = array<i64: 128, 8>}, {pipeline_mode = #tpu.pipeline_mode<synchronous>, transform_indices = @transform_3, window_bounds = array<i64: 128, 1>}, {pipeline_mode = #tpu.pipeline_mode<synchronous>, transform_indices = @transform_4, window_bounds = array<i64: 1, 128>}, {pipeline_mode = #tpu.pipeline_mode<synchronous>, transform_indices = @transform_5, window_bounds = array<i64: 128, 16>}, {pipeline_mode = #tpu.pipeline_mode<synchronous>, transform_indices = @transform_6, window_bounds = array<i64: 1, 1>}]} {
    %eq3A = arith.constant 0 : i32
    %eq3A_0 = arith.cmpi eq, %arg0, %eq3A : i32
    %convert_element_type3A = arith.extui %eq3A_0 : i1 to i32
    %cond3A = arith.constant 0 : i32
    %cond3A_1 = arith.cmpi ne, %convert_element_type3A, %cond3A : i32
    scf.if %cond3A_1 {
      %broadcast_in_dim3A_411 = arith.constant 0.000000e+00 : f32
      %broadcast_in_dim3A_412 = vector.broadcast %broadcast_in_dim3A_411 : f32 to vector<128x4096xf32>
      %swap3A_413 = arith.constant 0 : index
      %swap3A_414 = arith.constant 0 : index
      %swap3A_415 = vector.load %arg8[%swap3A_413, %swap3A_414] : memref<128x4096xf32, #tpu.memory_space<vmem>>, vector<128x4096xf32>
      tpu.vector_store %arg8[%swap3A_413, %swap3A_414], %broadcast_in_dim3A_412 {strides = array<i32>} : memref<128x4096xf32, #tpu.memory_space<vmem>>, vector<128x4096xf32>,
    } else {
    }
    %get3A = arith.constant 0 : index
    %get3A_2 = arith.constant 0 : index
    %get3A_3 = vector.load %arg1[%get3A, %get3A_2] : memref<8x4096xf32, #tpu.memory_space<vmem>>, vector<8x4096xf32>
    %max3A = arith.constant 1.000000e-24 : f32
    %max3A_4 = vector.broadcast %max3A : f32 to vector<8x4096xf32>
    %max3A_5 = arith.maximumf %get3A_3, %max3A_4 : vector<8x4096xf32>
    %rsqrt3A = math.rsqrt %max3A_5 : vector<8x4096xf32>
    %mul3A = arith.constant 5.000000e-01 : f32
    %mul3A_6 = vector.broadcast %mul3A : f32 to vector<8x4096xf32>
    %mul3A_7 = arith.mulf %mul3A_6, %max3A_5 : vector<8x4096xf32>
    %mul3A_8 = arith.mulf %mul3A_7, %rsqrt3A : vector<8x4096xf32>
    %mul3A_9 = arith.mulf %mul3A_8, %rsqrt3A : vector<8x4096xf32>
    %sub3A = arith.constant 1.500000e+00 : f32
    %sub3A_10 = vector.broadcast %sub3A : f32 to vector<8x4096xf32>
    %sub3A_11 = arith.subf %sub3A_10, %mul3A_9 : vector<8x4096xf32>
    %mul3A_12 = arith.mulf %rsqrt3A, %sub3A_11 : vector<8x4096xf32>
    %mul3A_13 = arith.mulf %max3A_5, %mul3A_12 : vector<8x4096xf32>
    %mul3A_14 = arith.constant 2.000000e-01 : f32
    %mul3A_15 = vector.broadcast %mul3A_14 : f32 to vector<8x4096xf32>
    %mul3A_16 = arith.mulf %mul3A_13, %mul3A_15 : vector<8x4096xf32>
    %mul3A_17 = arith.mulf %mul3A_16, %mul3A_16 : vector<8x4096xf32>
    %mul3A_18 = arith.mulf %mul3A_17, %mul3A_17 : vector<8x4096xf32>
    %mul3A_19 = arith.mulf %mul3A_18, %mul3A_17 : vector<8x4096xf32>
    %mul3A_20 = arith.constant 2.100000e+01 : f32
    %mul3A_21 = vector.broadcast %mul3A_20 : f32 to vector<8x4096xf32>
    %mul3A_22 = arith.mulf %mul3A_21, %mul3A_16 : vector<8x4096xf32>
    %sub3A_23 = arith.constant 4.800000e+01 : f32
    %sub3A_24 = vector.broadcast %sub3A_23 : f32 to vector<8x4096xf32>
    %sub3A_25 = arith.subf %sub3A_24, %mul3A_22 : vector<8x4096xf32>
    %mul3A_26 = arith.mulf %mul3A_16, %sub3A_25 : vector<8x4096xf32>
    %sub3A_27 = arith.constant 2.800000e+01 : f32
    %sub3A_28 = vector.broadcast %sub3A_27 : f32 to vector<8x4096xf32>
    %sub3A_29 = arith.subf %sub3A_28, %mul3A_26 : vector<8x4096xf32>
    %mul3A_30 = arith.mulf %mul3A_19, %sub3A_29 : vector<8x4096xf32>
    %sub3A_31 = arith.constant 1.000000e+00 : f32
    %sub3A_32 = vector.broadcast %sub3A_31 : f32 to vector<8x4096xf32>
    %sub3A_33 = arith.subf %sub3A_32, %mul3A_30 : vector<8x4096xf32>
    %lt3A = arith.constant 1.000000e+00 : f32
    %lt3A_34 = vector.broadcast %lt3A : f32 to vector<8x4096xf32>
    %lt3A_35 = arith.cmpf olt, %mul3A_16, %lt3A_34 : vector<8x4096xf32>
    %jit3A = arith.constant 0.000000e+00 : f32
    %broadcast_in_dim3A = vector.broadcast %jit3A : f32 to vector<8x4096xf32>
    %select_n3A = arith.select %lt3A_35, %sub3A_33, %broadcast_in_dim3A : vector<8x4096xi1>, vector<8x4096xf32>
    %mul3A_36 = arith.constant 0.632455527 : f32
    %mul3A_37 = vector.broadcast %mul3A_36 : f32 to vector<8x4096xf32>
    %mul3A_38 = arith.mulf %mul3A_37, %mul3A_12 : vector<8x4096xf32>
    %mul3A_39 = arith.mulf %select_n3A, %mul3A_38 : vector<8x4096xf32>
    %mul3A_40 = arith.constant 0.628318548 : f32
    %mul3A_41 = vector.broadcast %mul3A_40 : f32 to vector<8x4096xf32>
    %mul3A_42 = arith.mulf %mul3A_13, %mul3A_41 : vector<8x4096xf32>
    %get3A_43 = arith.constant 0 : index
    %get3A_44 = arith.constant 0 : index
    %get3A_45 = vector.load %arg2[%get3A_43, %get3A_44] : memref<8x4096xi32, #tpu.memory_space<vmem>>, vector<8x4096xi32>
    %iota3A = tpu.iota {dimensions = array<i32: 0>} : vector<8x1xi32>
    %convert_element_type3A_46 = arith.sitofp %iota3A : vector<8x1xi32> to vector<8x1xf32>
    %add3A = arith.constant 1.000000e+00 : f32
    %add3A_47 = vector.broadcast %add3A : f32 to vector<8x1xf32>
    %add3A_48 = arith.addf %convert_element_type3A_46, %add3A_47 : vector<8x1xf32>
    %iota3A_49 = tpu.iota {dimensions = array<i32: 0>} : vector<16x1xi32>
    %get3A_50 = arith.constant 0 : index
    %get3A_51 = arith.constant 0 : index
    %get3A_52 = vector.load %arg3[%get3A_50, %get3A_51] : memref<128x8xf32, #tpu.memory_space<vmem>>, vector<128x8xf32>
    %get3A_53 = arith.constant 0 : index
    %get3A_54 = arith.constant 0 : index
    %get3A_55 = vector.load %arg4[%get3A_53, %get3A_54] : memref<128x1xf32, #tpu.memory_space<vmem>>, vector<128x1xf32>
    %get3A_56 = arith.constant 0 : index
    %get3A_57 = arith.constant 0 : index
    %get3A_58 = vector.load %arg6[%get3A_56, %get3A_57] : memref<128x16xf32, #tpu.memory_space<vmem>>, vector<128x16xf32>
    %slice3A = vector.extract_strided_slice %get3A_3 {offsets = [0, 0], sizes = [1, 4096], strides = [1, 1]} : vector<8x4096xf32> to vector<1x4096xf32>
    %lt3A_59 = arith.constant 2.500000e+01 : f32
    %lt3A_60 = vector.broadcast %lt3A_59 : f32 to vector<1x4096xf32>
    %lt3A_61 = arith.cmpf olt, %slice3A, %lt3A_60 : vector<1x4096xf32>
    %slice3A_62 = vector.extract_strided_slice %mul3A_42 {offsets = [0, 0], sizes = [1, 4096], strides = [1, 1]} : vector<8x4096xf32> to vector<1x4096xf32>
    %mul3A_63 = vector.broadcast %add3A_48 : vector<8x1xf32> to vector<8x4096xf32>
    %mul3A_64 = vector.broadcast %slice3A_62 : vector<1x4096xf32> to vector<8x4096xf32>
    %mul3A_65 = arith.mulf %mul3A_63, %mul3A_64 : vector<8x4096xf32>
    %sin3A = math.sin %mul3A_65 : vector<8x4096xf32>
    %slice3A_66 = vector.extract_strided_slice %mul3A_39 {offsets = [0, 0], sizes = [1, 4096], strides = [1, 1]} : vector<8x4096xf32> to vector<1x4096xf32>
    %mul3A_67 = vector.broadcast %slice3A_66 : vector<1x4096xf32> to vector<8x4096xf32>
    %mul3A_68 = arith.mulf %sin3A, %mul3A_67 : vector<8x4096xf32>
    %dot_general3A = arith.constant dense<0.000000e+00> : vector<128x4096xf32>
    %dot_general3A_69 = tpu.matmul %get3A_52, %mul3A_68, %dot_general3A {dimension_numbers = #tpu.dot_dimension_numbers<[1], [0], [0], [1], [0, 0, 1, 1], [], []>, transpose_lhs_hint = false} : vector<128x8xf32>, vector<8x4096xf32>, vector<128x4096xf32> -> vector<128x4096xf32>
    %add3A_70 = vector.broadcast %get3A_55 : vector<128x1xf32> to vector<128x4096xf32>
    %add3A_71 = arith.addf %dot_general3A_69, %add3A_70 : vector<128x4096xf32>
    %logistic3A = arith.negf %add3A_71 : vector<128x4096xf32>
    %logistic3A_72 = math.exp %logistic3A : vector<128x4096xf32>
    %logistic3A_73 = arith.constant 1.000000e+00 : f32
    %logistic3A_74 = vector.broadcast %logistic3A_73 : f32 to vector<128x4096xf32>
    %logistic3A_75 = arith.addf %logistic3A_74, %logistic3A_72 : vector<128x4096xf32>
    %logistic3A_76 = arith.divf %logistic3A_74, %logistic3A_75 : vector<128x4096xf32>
    %mul3A_77 = arith.mulf %add3A_71, %logistic3A_76 : vector<128x4096xf32>
    %slice3A_78 = vector.extract_strided_slice %get3A_45 {offsets = [0, 0], sizes = [1, 4096], strides = [1, 1]} : vector<8x4096xi32> to vector<1x4096xi32>
    %eq3A_79 = vector.broadcast %slice3A_78 : vector<1x4096xi32> to vector<16x4096xi32>
    %eq3A_80 = vector.broadcast %iota3A_49 : vector<16x1xi32> to vector<16x4096xi32>
    %eq3A_81 = arith.cmpi eq, %eq3A_79, %eq3A_80 : vector<16x4096xi32>
    %convert_element_type3A_82 = arith.extui %eq3A_81 : vector<16x4096xi1> to vector<16x4096xi32>
    %convert_element_type3A_83 = arith.sitofp %convert_element_type3A_82 : vector<16x4096xi32> to vector<16x4096xf32>
    %dot_general3A_84 = arith.constant dense<0.000000e+00> : vector<128x4096xf32>
    %dot_general3A_85 = tpu.matmul %get3A_58, %convert_element_type3A_83, %dot_general3A_84 {dimension_numbers = #tpu.dot_dimension_numbers<[1], [0], [0], [1], [0, 0, 1, 1], [], []>, precision = #tpu.contract_precision<fp32>, transpose_lhs_hint = false} : vector<128x16xf32>, vector<16x4096xf32>, vector<128x4096xf32> -> vector<128x4096xf32>
    %get3A_86 = arith.constant 0 : index
    %get3A_87 = arith.constant 0 : index
    %get3A_88 = vector.load %arg8[%get3A_86, %get3A_87] : memref<128x4096xf32, #tpu.memory_space<vmem>>, vector<128x4096xf32>
    %jit3A_89 = arith.constant 0.000000e+00 : f32
    %broadcast_in_dim3A_90 = vector.shape_cast %lt3A_61 : vector<1x4096xi1> to vector<1x4096xi1>
    %broadcast_in_dim3A_91 = vector.broadcast %broadcast_in_dim3A_90 : vector<1x4096xi1> to vector<128x4096xi1>
    %broadcast_in_dim3A_92 = vector.broadcast %jit3A_89 : f32 to vector<128x4096xf32>
    %select_n3A_93 = arith.select %broadcast_in_dim3A_91, %dot_general3A_85, %broadcast_in_dim3A_92 : vector<128x4096xi1>, vector<128x4096xf32>
    %mul3A_94 = arith.mulf %select_n3A_93, %mul3A_77 : vector<128x4096xf32>
    %add3A_95 = arith.addf %get3A_88, %mul3A_94 : vector<128x4096xf32>
    %swap3A = arith.constant 0 : index
    %swap3A_96 = arith.constant 0 : index
    %swap3A_97 = vector.load %arg8[%swap3A, %swap3A_96] : memref<128x4096xf32, #tpu.memory_space<vmem>>, vector<128x4096xf32>
    tpu.vector_store %arg8[%swap3A, %swap3A_96], %add3A_95 {strides = array<i32>} : memref<128x4096xf32, #tpu.memory_space<vmem>>, vector<128x4096xf32>,
    %slice3A_98 = vector.extract_strided_slice %get3A_3 {offsets = [1, 0], sizes = [1, 4096], strides = [1, 1]} : vector<8x4096xf32> to vector<1x4096xf32>
    %lt3A_99 = arith.constant 2.500000e+01 : f32
    %lt3A_100 = vector.broadcast %lt3A_99 : f32 to vector<1x4096xf32>
    %lt3A_101 = arith.cmpf olt, %slice3A_98, %lt3A_100 : vector<1x4096xf32>
    %slice3A_102 = vector.extract_strided_slice %mul3A_42 {offsets = [1, 0], sizes = [1, 4096], strides = [1, 1]} : vector<8x4096xf32> to vector<1x4096xf32>
    %mul3A_103 = vector.broadcast %add3A_48 : vector<8x1xf32> to vector<8x4096xf32>
    %mul3A_104 = vector.broadcast %slice3A_102 : vector<1x4096xf32> to vector<8x4096xf32>
    %mul3A_105 = arith.mulf %mul3A_103, %mul3A_104 : vector<8x4096xf32>
    %sin3A_106 = math.sin %mul3A_105 : vector<8x4096xf32>
    %slice3A_107 = vector.extract_strided_slice %mul3A_39 {offsets = [1, 0], sizes = [1, 4096], strides = [1, 1]} : vector<8x4096xf32> to vector<1x4096xf32>
    %mul3A_108 = vector.broadcast %slice3A_107 : vector<1x4096xf32> to vector<8x4096xf32>
    %mul3A_109 = arith.mulf %sin3A_106, %mul3A_108 : vector<8x4096xf32>
    %dot_general3A_110 = arith.constant dense<0.000000e+00> : vector<128x4096xf32>
    %dot_general3A_111 = tpu.matmul %get3A_52, %mul3A_109, %dot_general3A_110 {dimension_numbers = #tpu.dot_dimension_numbers<[1], [0], [0], [1], [0, 0, 1, 1], [], []>, transpose_lhs_hint = false} : vector<128x8xf32>, vector<8x4096xf32>, vector<128x4096xf32> -> vector<128x4096xf32>
    %add3A_112 = vector.broadcast %get3A_55 : vector<128x1xf32> to vector<128x4096xf32>
    %add3A_113 = arith.addf %dot_general3A_111, %add3A_112 : vector<128x4096xf32>
    %logistic3A_114 = arith.negf %add3A_113 : vector<128x4096xf32>
    %logistic3A_115 = math.exp %logistic3A_114 : vector<128x4096xf32>
    %logistic3A_116 = arith.constant 1.000000e+00 : f32
    %logistic3A_117 = vector.broadcast %logistic3A_116 : f32 to vector<128x4096xf32>
    %logistic3A_118 = arith.addf %logistic3A_117, %logistic3A_115 : vector<128x4096xf32>
    %logistic3A_119 = arith.divf %logistic3A_117, %logistic3A_118 : vector<128x4096xf32>
    %mul3A_120 = arith.mulf %add3A_113, %logistic3A_119 : vector<128x4096xf32>
    %slice3A_121 = vector.extract_strided_slice %get3A_45 {offsets = [1, 0], sizes = [1, 4096], strides = [1, 1]} : vector<8x4096xi32> to vector<1x4096xi32>
    %eq3A_122 = vector.broadcast %slice3A_121 : vector<1x4096xi32> to vector<16x4096xi32>
    %eq3A_123 = vector.broadcast %iota3A_49 : vector<16x1xi32> to vector<16x4096xi32>
    %eq3A_124 = arith.cmpi eq, %eq3A_122, %eq3A_123 : vector<16x4096xi32>
    %convert_element_type3A_125 = arith.extui %eq3A_124 : vector<16x4096xi1> to vector<16x4096xi32>
    %convert_element_type3A_126 = arith.sitofp %convert_element_type3A_125 : vector<16x4096xi32> to vector<16x4096xf32>
    %dot_general3A_127 = arith.constant dense<0.000000e+00> : vector<128x4096xf32>
    %dot_general3A_128 = tpu.matmul %get3A_58, %convert_element_type3A_126, %dot_general3A_127 {dimension_numbers = #tpu.dot_dimension_numbers<[1], [0], [0], [1], [0, 0, 1, 1], [], []>, precision = #tpu.contract_precision<fp32>, transpose_lhs_hint = false} : vector<128x16xf32>, vector<16x4096xf32>, vector<128x4096xf32> -> vector<128x4096xf32>
    %get3A_129 = arith.constant 0 : index
    %get3A_130 = arith.constant 0 : index
    %get3A_131 = vector.load %arg8[%get3A_129, %get3A_130] : memref<128x4096xf32, #tpu.memory_space<vmem>>, vector<128x4096xf32>
    %jit3A_132 = arith.constant 0.000000e+00 : f32
    %broadcast_in_dim3A_133 = vector.shape_cast %lt3A_101 : vector<1x4096xi1> to vector<1x4096xi1>
    %broadcast_in_dim3A_134 = vector.broadcast %broadcast_in_dim3A_133 : vector<1x4096xi1> to vector<128x4096xi1>
    %broadcast_in_dim3A_135 = vector.broadcast %jit3A_132 : f32 to vector<128x4096xf32>
    %select_n3A_136 = arith.select %broadcast_in_dim3A_134, %dot_general3A_128, %broadcast_in_dim3A_135 : vector<128x4096xi1>, vector<128x4096xf32>
    %mul3A_137 = arith.mulf %select_n3A_136, %mul3A_120 : vector<128x4096xf32>
    %add3A_138 = arith.addf %get3A_131, %mul3A_137 : vector<128x4096xf32>
    %swap3A_139 = arith.constant 0 : index
    %swap3A_140 = arith.constant 0 : index
    %swap3A_141 = vector.load %arg8[%swap3A_139, %swap3A_140] : memref<128x4096xf32, #tpu.memory_space<vmem>>, vector<128x4096xf32>
    tpu.vector_store %arg8[%swap3A_139, %swap3A_140], %add3A_138 {strides = array<i32>} : memref<128x4096xf32, #tpu.memory_space<vmem>>, vector<128x4096xf32>,
    %slice3A_142 = vector.extract_strided_slice %get3A_3 {offsets = [2, 0], sizes = [1, 4096], strides = [1, 1]} : vector<8x4096xf32> to vector<1x4096xf32>
    %lt3A_143 = arith.constant 2.500000e+01 : f32
    %lt3A_144 = vector.broadcast %lt3A_143 : f32 to vector<1x4096xf32>
    %lt3A_145 = arith.cmpf olt, %slice3A_142, %lt3A_144 : vector<1x4096xf32>
    %slice3A_146 = vector.extract_strided_slice %mul3A_42 {offsets = [2, 0], sizes = [1, 4096], strides = [1, 1]} : vector<8x4096xf32> to vector<1x4096xf32>
    %mul3A_147 = vector.broadcast %add3A_48 : vector<8x1xf32> to vector<8x4096xf32>
    %mul3A_148 = vector.broadcast %slice3A_146 : vector<1x4096xf32> to vector<8x4096xf32>
    %mul3A_149 = arith.mulf %mul3A_147, %mul3A_148 : vector<8x4096xf32>
    %sin3A_150 = math.sin %mul3A_149 : vector<8x4096xf32>
    %slice3A_151 = vector.extract_strided_slice %mul3A_39 {offsets = [2, 0], sizes = [1, 4096], strides = [1, 1]} : vector<8x4096xf32> to vector<1x4096xf32>
    %mul3A_152 = vector.broadcast %slice3A_151 : vector<1x4096xf32> to vector<8x4096xf32>
    %mul3A_153 = arith.mulf %sin3A_150, %mul3A_152 : vector<8x4096xf32>
    %dot_general3A_154 = arith.constant dense<0.000000e+00> : vector<128x4096xf32>
    %dot_general3A_155 = tpu.matmul %get3A_52, %mul3A_153, %dot_general3A_154 {dimension_numbers = #tpu.dot_dimension_numbers<[1], [0], [0], [1], [0, 0, 1, 1], [], []>, transpose_lhs_hint = false} : vector<128x8xf32>, vector<8x4096xf32>, vector<128x4096xf32> -> vector<128x4096xf32>
    %add3A_156 = vector.broadcast %get3A_55 : vector<128x1xf32> to vector<128x4096xf32>
    %add3A_157 = arith.addf %dot_general3A_155, %add3A_156 : vector<128x4096xf32>
    %logistic3A_158 = arith.negf %add3A_157 : vector<128x4096xf32>
    %logistic3A_159 = math.exp %logistic3A_158 : vector<128x4096xf32>
    %logistic3A_160 = arith.constant 1.000000e+00 : f32
    %logistic3A_161 = vector.broadcast %logistic3A_160 : f32 to vector<128x4096xf32>
    %logistic3A_162 = arith.addf %logistic3A_161, %logistic3A_159 : vector<128x4096xf32>
    %logistic3A_163 = arith.divf %logistic3A_161, %logistic3A_162 : vector<128x4096xf32>
    %mul3A_164 = arith.mulf %add3A_157, %logistic3A_163 : vector<128x4096xf32>
    %slice3A_165 = vector.extract_strided_slice %get3A_45 {offsets = [2, 0], sizes = [1, 4096], strides = [1, 1]} : vector<8x4096xi32> to vector<1x4096xi32>
    %eq3A_166 = vector.broadcast %slice3A_165 : vector<1x4096xi32> to vector<16x4096xi32>
    %eq3A_167 = vector.broadcast %iota3A_49 : vector<16x1xi32> to vector<16x4096xi32>
    %eq3A_168 = arith.cmpi eq, %eq3A_166, %eq3A_167 : vector<16x4096xi32>
    %convert_element_type3A_169 = arith.extui %eq3A_168 : vector<16x4096xi1> to vector<16x4096xi32>
    %convert_element_type3A_170 = arith.sitofp %convert_element_type3A_169 : vector<16x4096xi32> to vector<16x4096xf32>
    %dot_general3A_171 = arith.constant dense<0.000000e+00> : vector<128x4096xf32>
    %dot_general3A_172 = tpu.matmul %get3A_58, %convert_element_type3A_170, %dot_general3A_171 {dimension_numbers = #tpu.dot_dimension_numbers<[1], [0], [0], [1], [0, 0, 1, 1], [], []>, precision = #tpu.contract_precision<fp32>, transpose_lhs_hint = false} : vector<128x16xf32>, vector<16x4096xf32>, vector<128x4096xf32> -> vector<128x4096xf32>
    %get3A_173 = arith.constant 0 : index
    %get3A_174 = arith.constant 0 : index
    %get3A_175 = vector.load %arg8[%get3A_173, %get3A_174] : memref<128x4096xf32, #tpu.memory_space<vmem>>, vector<128x4096xf32>
    %jit3A_176 = arith.constant 0.000000e+00 : f32
    %broadcast_in_dim3A_177 = vector.shape_cast %lt3A_145 : vector<1x4096xi1> to vector<1x4096xi1>
    %broadcast_in_dim3A_178 = vector.broadcast %broadcast_in_dim3A_177 : vector<1x4096xi1> to vector<128x4096xi1>
    %broadcast_in_dim3A_179 = vector.broadcast %jit3A_176 : f32 to vector<128x4096xf32>
    %select_n3A_180 = arith.select %broadcast_in_dim3A_178, %dot_general3A_172, %broadcast_in_dim3A_179 : vector<128x4096xi1>, vector<128x4096xf32>
    %mul3A_181 = arith.mulf %select_n3A_180, %mul3A_164 : vector<128x4096xf32>
    %add3A_182 = arith.addf %get3A_175, %mul3A_181 : vector<128x4096xf32>
    %swap3A_183 = arith.constant 0 : index
    %swap3A_184 = arith.constant 0 : index
    %swap3A_185 = vector.load %arg8[%swap3A_183, %swap3A_184] : memref<128x4096xf32, #tpu.memory_space<vmem>>, vector<128x4096xf32>
    tpu.vector_store %arg8[%swap3A_183, %swap3A_184], %add3A_182 {strides = array<i32>} : memref<128x4096xf32, #tpu.memory_space<vmem>>, vector<128x4096xf32>,
    %slice3A_186 = vector.extract_strided_slice %get3A_3 {offsets = [3, 0], sizes = [1, 4096], strides = [1, 1]} : vector<8x4096xf32> to vector<1x4096xf32>
    %lt3A_187 = arith.constant 2.500000e+01 : f32
    %lt3A_188 = vector.broadcast %lt3A_187 : f32 to vector<1x4096xf32>
    %lt3A_189 = arith.cmpf olt, %slice3A_186, %lt3A_188 : vector<1x4096xf32>
    %slice3A_190 = vector.extract_strided_slice %mul3A_42 {offsets = [3, 0], sizes = [1, 4096], strides = [1, 1]} : vector<8x4096xf32> to vector<1x4096xf32>
    %mul3A_191 = vector.broadcast %add3A_48 : vector<8x1xf32> to vector<8x4096xf32>
    %mul3A_192 = vector.broadcast %slice3A_190 : vector<1x4096xf32> to vector<8x4096xf32>
    %mul3A_193 = arith.mulf %mul3A_191, %mul3A_192 : vector<8x4096xf32>
    %sin3A_194 = math.sin %mul3A_193 : vector<8x4096xf32>
    %slice3A_195 = vector.extract_strided_slice %mul3A_39 {offsets = [3, 0], sizes = [1, 4096], strides = [1, 1]} : vector<8x4096xf32> to vector<1x4096xf32>
    %mul3A_196 = vector.broadcast %slice3A_195 : vector<1x4096xf32> to vector<8x4096xf32>
    %mul3A_197 = arith.mulf %sin3A_194, %mul3A_196 : vector<8x4096xf32>
    %dot_general3A_198 = arith.constant dense<0.000000e+00> : vector<128x4096xf32>
    %dot_general3A_199 = tpu.matmul %get3A_52, %mul3A_197, %dot_general3A_198 {dimension_numbers = #tpu.dot_dimension_numbers<[1], [0], [0], [1], [0, 0, 1, 1], [], []>, transpose_lhs_hint = false} : vector<128x8xf32>, vector<8x4096xf32>, vector<128x4096xf32> -> vector<128x4096xf32>
    %add3A_200 = vector.broadcast %get3A_55 : vector<128x1xf32> to vector<128x4096xf32>
    %add3A_201 = arith.addf %dot_general3A_199, %add3A_200 : vector<128x4096xf32>
    %logistic3A_202 = arith.negf %add3A_201 : vector<128x4096xf32>
    %logistic3A_203 = math.exp %logistic3A_202 : vector<128x4096xf32>
    %logistic3A_204 = arith.constant 1.000000e+00 : f32
    %logistic3A_205 = vector.broadcast %logistic3A_204 : f32 to vector<128x4096xf32>
    %logistic3A_206 = arith.addf %logistic3A_205, %logistic3A_203 : vector<128x4096xf32>
    %logistic3A_207 = arith.divf %logistic3A_205, %logistic3A_206 : vector<128x4096xf32>
    %mul3A_208 = arith.mulf %add3A_201, %logistic3A_207 : vector<128x4096xf32>
    %slice3A_209 = vector.extract_strided_slice %get3A_45 {offsets = [3, 0], sizes = [1, 4096], strides = [1, 1]} : vector<8x4096xi32> to vector<1x4096xi32>
    %eq3A_210 = vector.broadcast %slice3A_209 : vector<1x4096xi32> to vector<16x4096xi32>
    %eq3A_211 = vector.broadcast %iota3A_49 : vector<16x1xi32> to vector<16x4096xi32>
    %eq3A_212 = arith.cmpi eq, %eq3A_210, %eq3A_211 : vector<16x4096xi32>
    %convert_element_type3A_213 = arith.extui %eq3A_212 : vector<16x4096xi1> to vector<16x4096xi32>
    %convert_element_type3A_214 = arith.sitofp %convert_element_type3A_213 : vector<16x4096xi32> to vector<16x4096xf32>
    %dot_general3A_215 = arith.constant dense<0.000000e+00> : vector<128x4096xf32>
    %dot_general3A_216 = tpu.matmul %get3A_58, %convert_element_type3A_214, %dot_general3A_215 {dimension_numbers = #tpu.dot_dimension_numbers<[1], [0], [0], [1], [0, 0, 1, 1], [], []>, precision = #tpu.contract_precision<fp32>, transpose_lhs_hint = false} : vector<128x16xf32>, vector<16x4096xf32>, vector<128x4096xf32> -> vector<128x4096xf32>
    %get3A_217 = arith.constant 0 : index
    %get3A_218 = arith.constant 0 : index
    %get3A_219 = vector.load %arg8[%get3A_217, %get3A_218] : memref<128x4096xf32, #tpu.memory_space<vmem>>, vector<128x4096xf32>
    %jit3A_220 = arith.constant 0.000000e+00 : f32
    %broadcast_in_dim3A_221 = vector.shape_cast %lt3A_189 : vector<1x4096xi1> to vector<1x4096xi1>
    %broadcast_in_dim3A_222 = vector.broadcast %broadcast_in_dim3A_221 : vector<1x4096xi1> to vector<128x4096xi1>
    %broadcast_in_dim3A_223 = vector.broadcast %jit3A_220 : f32 to vector<128x4096xf32>
    %select_n3A_224 = arith.select %broadcast_in_dim3A_222, %dot_general3A_216, %broadcast_in_dim3A_223 : vector<128x4096xi1>, vector<128x4096xf32>
    %mul3A_225 = arith.mulf %select_n3A_224, %mul3A_208 : vector<128x4096xf32>
    %add3A_226 = arith.addf %get3A_219, %mul3A_225 : vector<128x4096xf32>
    %swap3A_227 = arith.constant 0 : index
    %swap3A_228 = arith.constant 0 : index
    %swap3A_229 = vector.load %arg8[%swap3A_227, %swap3A_228] : memref<128x4096xf32, #tpu.memory_space<vmem>>, vector<128x4096xf32>
    tpu.vector_store %arg8[%swap3A_227, %swap3A_228], %add3A_226 {strides = array<i32>} : memref<128x4096xf32, #tpu.memory_space<vmem>>, vector<128x4096xf32>,
    %slice3A_230 = vector.extract_strided_slice %get3A_3 {offsets = [4, 0], sizes = [1, 4096], strides = [1, 1]} : vector<8x4096xf32> to vector<1x4096xf32>
    %lt3A_231 = arith.constant 2.500000e+01 : f32
    %lt3A_232 = vector.broadcast %lt3A_231 : f32 to vector<1x4096xf32>
    %lt3A_233 = arith.cmpf olt, %slice3A_230, %lt3A_232 : vector<1x4096xf32>
    %slice3A_234 = vector.extract_strided_slice %mul3A_42 {offsets = [4, 0], sizes = [1, 4096], strides = [1, 1]} : vector<8x4096xf32> to vector<1x4096xf32>
    %mul3A_235 = vector.broadcast %add3A_48 : vector<8x1xf32> to vector<8x4096xf32>
    %mul3A_236 = vector.broadcast %slice3A_234 : vector<1x4096xf32> to vector<8x4096xf32>
    %mul3A_237 = arith.mulf %mul3A_235, %mul3A_236 : vector<8x4096xf32>
    %sin3A_238 = math.sin %mul3A_237 : vector<8x4096xf32>
    %slice3A_239 = vector.extract_strided_slice %mul3A_39 {offsets = [4, 0], sizes = [1, 4096], strides = [1, 1]} : vector<8x4096xf32> to vector<1x4096xf32>
    %mul3A_240 = vector.broadcast %slice3A_239 : vector<1x4096xf32> to vector<8x4096xf32>
    %mul3A_241 = arith.mulf %sin3A_238, %mul3A_240 : vector<8x4096xf32>
    %dot_general3A_242 = arith.constant dense<0.000000e+00> : vector<128x4096xf32>
    %dot_general3A_243 = tpu.matmul %get3A_52, %mul3A_241, %dot_general3A_242 {dimension_numbers = #tpu.dot_dimension_numbers<[1], [0], [0], [1], [0, 0, 1, 1], [], []>, transpose_lhs_hint = false} : vector<128x8xf32>, vector<8x4096xf32>, vector<128x4096xf32> -> vector<128x4096xf32>
    %add3A_244 = vector.broadcast %get3A_55 : vector<128x1xf32> to vector<128x4096xf32>
    %add3A_245 = arith.addf %dot_general3A_243, %add3A_244 : vector<128x4096xf32>
    %logistic3A_246 = arith.negf %add3A_245 : vector<128x4096xf32>
    %logistic3A_247 = math.exp %logistic3A_246 : vector<128x4096xf32>
    %logistic3A_248 = arith.constant 1.000000e+00 : f32
    %logistic3A_249 = vector.broadcast %logistic3A_248 : f32 to vector<128x4096xf32>
    %logistic3A_250 = arith.addf %logistic3A_249, %logistic3A_247 : vector<128x4096xf32>
    %logistic3A_251 = arith.divf %logistic3A_249, %logistic3A_250 : vector<128x4096xf32>
    %mul3A_252 = arith.mulf %add3A_245, %logistic3A_251 : vector<128x4096xf32>
    %slice3A_253 = vector.extract_strided_slice %get3A_45 {offsets = [4, 0], sizes = [1, 4096], strides = [1, 1]} : vector<8x4096xi32> to vector<1x4096xi32>
    %eq3A_254 = vector.broadcast %slice3A_253 : vector<1x4096xi32> to vector<16x4096xi32>
    %eq3A_255 = vector.broadcast %iota3A_49 : vector<16x1xi32> to vector<16x4096xi32>
    %eq3A_256 = arith.cmpi eq, %eq3A_254, %eq3A_255 : vector<16x4096xi32>
    %convert_element_type3A_257 = arith.extui %eq3A_256 : vector<16x4096xi1> to vector<16x4096xi32>
    %convert_element_type3A_258 = arith.sitofp %convert_element_type3A_257 : vector<16x4096xi32> to vector<16x4096xf32>
    %dot_general3A_259 = arith.constant dense<0.000000e+00> : vector<128x4096xf32>
    %dot_general3A_260 = tpu.matmul %get3A_58, %convert_element_type3A_258, %dot_general3A_259 {dimension_numbers = #tpu.dot_dimension_numbers<[1], [0], [0], [1], [0, 0, 1, 1], [], []>, precision = #tpu.contract_precision<fp32>, transpose_lhs_hint = false} : vector<128x16xf32>, vector<16x4096xf32>, vector<128x4096xf32> -> vector<128x4096xf32>
    %get3A_261 = arith.constant 0 : index
    %get3A_262 = arith.constant 0 : index
    %get3A_263 = vector.load %arg8[%get3A_261, %get3A_262] : memref<128x4096xf32, #tpu.memory_space<vmem>>, vector<128x4096xf32>
    %jit3A_264 = arith.constant 0.000000e+00 : f32
    %broadcast_in_dim3A_265 = vector.shape_cast %lt3A_233 : vector<1x4096xi1> to vector<1x4096xi1>
    %broadcast_in_dim3A_266 = vector.broadcast %broadcast_in_dim3A_265 : vector<1x4096xi1> to vector<128x4096xi1>
    %broadcast_in_dim3A_267 = vector.broadcast %jit3A_264 : f32 to vector<128x4096xf32>
    %select_n3A_268 = arith.select %broadcast_in_dim3A_266, %dot_general3A_260, %broadcast_in_dim3A_267 : vector<128x4096xi1>, vector<128x4096xf32>
    %mul3A_269 = arith.mulf %select_n3A_268, %mul3A_252 : vector<128x4096xf32>
    %add3A_270 = arith.addf %get3A_263, %mul3A_269 : vector<128x4096xf32>
    %swap3A_271 = arith.constant 0 : index
    %swap3A_272 = arith.constant 0 : index
    %swap3A_273 = vector.load %arg8[%swap3A_271, %swap3A_272] : memref<128x4096xf32, #tpu.memory_space<vmem>>, vector<128x4096xf32>
    tpu.vector_store %arg8[%swap3A_271, %swap3A_272], %add3A_270 {strides = array<i32>} : memref<128x4096xf32, #tpu.memory_space<vmem>>, vector<128x4096xf32>,
    %slice3A_274 = vector.extract_strided_slice %get3A_3 {offsets = [5, 0], sizes = [1, 4096], strides = [1, 1]} : vector<8x4096xf32> to vector<1x4096xf32>
    %lt3A_275 = arith.constant 2.500000e+01 : f32
    %lt3A_276 = vector.broadcast %lt3A_275 : f32 to vector<1x4096xf32>
    %lt3A_277 = arith.cmpf olt, %slice3A_274, %lt3A_276 : vector<1x4096xf32>
    %slice3A_278 = vector.extract_strided_slice %mul3A_42 {offsets = [5, 0], sizes = [1, 4096], strides = [1, 1]} : vector<8x4096xf32> to vector<1x4096xf32>
    %mul3A_279 = vector.broadcast %add3A_48 : vector<8x1xf32> to vector<8x4096xf32>
    %mul3A_280 = vector.broadcast %slice3A_278 : vector<1x4096xf32> to vector<8x4096xf32>
    %mul3A_281 = arith.mulf %mul3A_279, %mul3A_280 : vector<8x4096xf32>
    %sin3A_282 = math.sin %mul3A_281 : vector<8x4096xf32>
    %slice3A_283 = vector.extract_strided_slice %mul3A_39 {offsets = [5, 0], sizes = [1, 4096], strides = [1, 1]} : vector<8x4096xf32> to vector<1x4096xf32>
    %mul3A_284 = vector.broadcast %slice3A_283 : vector<1x4096xf32> to vector<8x4096xf32>
    %mul3A_285 = arith.mulf %sin3A_282, %mul3A_284 : vector<8x4096xf32>
    %dot_general3A_286 = arith.constant dense<0.000000e+00> : vector<128x4096xf32>
    %dot_general3A_287 = tpu.matmul %get3A_52, %mul3A_285, %dot_general3A_286 {dimension_numbers = #tpu.dot_dimension_numbers<[1], [0], [0], [1], [0, 0, 1, 1], [], []>, transpose_lhs_hint = false} : vector<128x8xf32>, vector<8x4096xf32>, vector<128x4096xf32> -> vector<128x4096xf32>
    %add3A_288 = vector.broadcast %get3A_55 : vector<128x1xf32> to vector<128x4096xf32>
    %add3A_289 = arith.addf %dot_general3A_287, %add3A_288 : vector<128x4096xf32>
    %logistic3A_290 = arith.negf %add3A_289 : vector<128x4096xf32>
    %logistic3A_291 = math.exp %logistic3A_290 : vector<128x4096xf32>
    %logistic3A_292 = arith.constant 1.000000e+00 : f32
    %logistic3A_293 = vector.broadcast %logistic3A_292 : f32 to vector<128x4096xf32>
    %logistic3A_294 = arith.addf %logistic3A_293, %logistic3A_291 : vector<128x4096xf32>
    %logistic3A_295 = arith.divf %logistic3A_293, %logistic3A_294 : vector<128x4096xf32>
    %mul3A_296 = arith.mulf %add3A_289, %logistic3A_295 : vector<128x4096xf32>
    %slice3A_297 = vector.extract_strided_slice %get3A_45 {offsets = [5, 0], sizes = [1, 4096], strides = [1, 1]} : vector<8x4096xi32> to vector<1x4096xi32>
    %eq3A_298 = vector.broadcast %slice3A_297 : vector<1x4096xi32> to vector<16x4096xi32>
    %eq3A_299 = vector.broadcast %iota3A_49 : vector<16x1xi32> to vector<16x4096xi32>
    %eq3A_300 = arith.cmpi eq, %eq3A_298, %eq3A_299 : vector<16x4096xi32>
    %convert_element_type3A_301 = arith.extui %eq3A_300 : vector<16x4096xi1> to vector<16x4096xi32>
    %convert_element_type3A_302 = arith.sitofp %convert_element_type3A_301 : vector<16x4096xi32> to vector<16x4096xf32>
    %dot_general3A_303 = arith.constant dense<0.000000e+00> : vector<128x4096xf32>
    %dot_general3A_304 = tpu.matmul %get3A_58, %convert_element_type3A_302, %dot_general3A_303 {dimension_numbers = #tpu.dot_dimension_numbers<[1], [0], [0], [1], [0, 0, 1, 1], [], []>, precision = #tpu.contract_precision<fp32>, transpose_lhs_hint = false} : vector<128x16xf32>, vector<16x4096xf32>, vector<128x4096xf32> -> vector<128x4096xf32>
    %get3A_305 = arith.constant 0 : index
    %get3A_306 = arith.constant 0 : index
    %get3A_307 = vector.load %arg8[%get3A_305, %get3A_306] : memref<128x4096xf32, #tpu.memory_space<vmem>>, vector<128x4096xf32>
    %jit3A_308 = arith.constant 0.000000e+00 : f32
    %broadcast_in_dim3A_309 = vector.shape_cast %lt3A_277 : vector<1x4096xi1> to vector<1x4096xi1>
    %broadcast_in_dim3A_310 = vector.broadcast %broadcast_in_dim3A_309 : vector<1x4096xi1> to vector<128x4096xi1>
    %broadcast_in_dim3A_311 = vector.broadcast %jit3A_308 : f32 to vector<128x4096xf32>
    %select_n3A_312 = arith.select %broadcast_in_dim3A_310, %dot_general3A_304, %broadcast_in_dim3A_311 : vector<128x4096xi1>, vector<128x4096xf32>
    %mul3A_313 = arith.mulf %select_n3A_312, %mul3A_296 : vector<128x4096xf32>
    %add3A_314 = arith.addf %get3A_307, %mul3A_313 : vector<128x4096xf32>
    %swap3A_315 = arith.constant 0 : index
    %swap3A_316 = arith.constant 0 : index
    %swap3A_317 = vector.load %arg8[%swap3A_315, %swap3A_316] : memref<128x4096xf32, #tpu.memory_space<vmem>>, vector<128x4096xf32>
    tpu.vector_store %arg8[%swap3A_315, %swap3A_316], %add3A_314 {strides = array<i32>} : memref<128x4096xf32, #tpu.memory_space<vmem>>, vector<128x4096xf32>,
    %slice3A_318 = vector.extract_strided_slice %get3A_3 {offsets = [6, 0], sizes = [1, 4096], strides = [1, 1]} : vector<8x4096xf32> to vector<1x4096xf32>
    %lt3A_319 = arith.constant 2.500000e+01 : f32
    %lt3A_320 = vector.broadcast %lt3A_319 : f32 to vector<1x4096xf32>
    %lt3A_321 = arith.cmpf olt, %slice3A_318, %lt3A_320 : vector<1x4096xf32>
    %slice3A_322 = vector.extract_strided_slice %mul3A_42 {offsets = [6, 0], sizes = [1, 4096], strides = [1, 1]} : vector<8x4096xf32> to vector<1x4096xf32>
    %mul3A_323 = vector.broadcast %add3A_48 : vector<8x1xf32> to vector<8x4096xf32>
    %mul3A_324 = vector.broadcast %slice3A_322 : vector<1x4096xf32> to vector<8x4096xf32>
    %mul3A_325 = arith.mulf %mul3A_323, %mul3A_324 : vector<8x4096xf32>
    %sin3A_326 = math.sin %mul3A_325 : vector<8x4096xf32>
    %slice3A_327 = vector.extract_strided_slice %mul3A_39 {offsets = [6, 0], sizes = [1, 4096], strides = [1, 1]} : vector<8x4096xf32> to vector<1x4096xf32>
    %mul3A_328 = vector.broadcast %slice3A_327 : vector<1x4096xf32> to vector<8x4096xf32>
    %mul3A_329 = arith.mulf %sin3A_326, %mul3A_328 : vector<8x4096xf32>
    %dot_general3A_330 = arith.constant dense<0.000000e+00> : vector<128x4096xf32>
    %dot_general3A_331 = tpu.matmul %get3A_52, %mul3A_329, %dot_general3A_330 {dimension_numbers = #tpu.dot_dimension_numbers<[1], [0], [0], [1], [0, 0, 1, 1], [], []>, transpose_lhs_hint = false} : vector<128x8xf32>, vector<8x4096xf32>, vector<128x4096xf32> -> vector<128x4096xf32>
    %add3A_332 = vector.broadcast %get3A_55 : vector<128x1xf32> to vector<128x4096xf32>
    %add3A_333 = arith.addf %dot_general3A_331, %add3A_332 : vector<128x4096xf32>
    %logistic3A_334 = arith.negf %add3A_333 : vector<128x4096xf32>
    %logistic3A_335 = math.exp %logistic3A_334 : vector<128x4096xf32>
    %logistic3A_336 = arith.constant 1.000000e+00 : f32
    %logistic3A_337 = vector.broadcast %logistic3A_336 : f32 to vector<128x4096xf32>
    %logistic3A_338 = arith.addf %logistic3A_337, %logistic3A_335 : vector<128x4096xf32>
    %logistic3A_339 = arith.divf %logistic3A_337, %logistic3A_338 : vector<128x4096xf32>
    %mul3A_340 = arith.mulf %add3A_333, %logistic3A_339 : vector<128x4096xf32>
    %slice3A_341 = vector.extract_strided_slice %get3A_45 {offsets = [6, 0], sizes = [1, 4096], strides = [1, 1]} : vector<8x4096xi32> to vector<1x4096xi32>
    %eq3A_342 = vector.broadcast %slice3A_341 : vector<1x4096xi32> to vector<16x4096xi32>
    %eq3A_343 = vector.broadcast %iota3A_49 : vector<16x1xi32> to vector<16x4096xi32>
    %eq3A_344 = arith.cmpi eq, %eq3A_342, %eq3A_343 : vector<16x4096xi32>
    %convert_element_type3A_345 = arith.extui %eq3A_344 : vector<16x4096xi1> to vector<16x4096xi32>
    %convert_element_type3A_346 = arith.sitofp %convert_element_type3A_345 : vector<16x4096xi32> to vector<16x4096xf32>
    %dot_general3A_347 = arith.constant dense<0.000000e+00> : vector<128x4096xf32>
    %dot_general3A_348 = tpu.matmul %get3A_58, %convert_element_type3A_346, %dot_general3A_347 {dimension_numbers = #tpu.dot_dimension_numbers<[1], [0], [0], [1], [0, 0, 1, 1], [], []>, precision = #tpu.contract_precision<fp32>, transpose_lhs_hint = false} : vector<128x16xf32>, vector<16x4096xf32>, vector<128x4096xf32> -> vector<128x4096xf32>
    %get3A_349 = arith.constant 0 : index
    %get3A_350 = arith.constant 0 : index
    %get3A_351 = vector.load %arg8[%get3A_349, %get3A_350] : memref<128x4096xf32, #tpu.memory_space<vmem>>, vector<128x4096xf32>
    %jit3A_352 = arith.constant 0.000000e+00 : f32
    %broadcast_in_dim3A_353 = vector.shape_cast %lt3A_321 : vector<1x4096xi1> to vector<1x4096xi1>
    %broadcast_in_dim3A_354 = vector.broadcast %broadcast_in_dim3A_353 : vector<1x4096xi1> to vector<128x4096xi1>
    %broadcast_in_dim3A_355 = vector.broadcast %jit3A_352 : f32 to vector<128x4096xf32>
    %select_n3A_356 = arith.select %broadcast_in_dim3A_354, %dot_general3A_348, %broadcast_in_dim3A_355 : vector<128x4096xi1>, vector<128x4096xf32>
    %mul3A_357 = arith.mulf %select_n3A_356, %mul3A_340 : vector<128x4096xf32>
    %add3A_358 = arith.addf %get3A_351, %mul3A_357 : vector<128x4096xf32>
    %swap3A_359 = arith.constant 0 : index
    %swap3A_360 = arith.constant 0 : index
    %swap3A_361 = vector.load %arg8[%swap3A_359, %swap3A_360] : memref<128x4096xf32, #tpu.memory_space<vmem>>, vector<128x4096xf32>
    tpu.vector_store %arg8[%swap3A_359, %swap3A_360], %add3A_358 {strides = array<i32>} : memref<128x4096xf32, #tpu.memory_space<vmem>>, vector<128x4096xf32>,
    %slice3A_362 = vector.extract_strided_slice %get3A_3 {offsets = [7, 0], sizes = [1, 4096], strides = [1, 1]} : vector<8x4096xf32> to vector<1x4096xf32>
    %lt3A_363 = arith.constant 2.500000e+01 : f32
    %lt3A_364 = vector.broadcast %lt3A_363 : f32 to vector<1x4096xf32>
    %lt3A_365 = arith.cmpf olt, %slice3A_362, %lt3A_364 : vector<1x4096xf32>
    %slice3A_366 = vector.extract_strided_slice %mul3A_42 {offsets = [7, 0], sizes = [1, 4096], strides = [1, 1]} : vector<8x4096xf32> to vector<1x4096xf32>
    %mul3A_367 = vector.broadcast %add3A_48 : vector<8x1xf32> to vector<8x4096xf32>
    %mul3A_368 = vector.broadcast %slice3A_366 : vector<1x4096xf32> to vector<8x4096xf32>
    %mul3A_369 = arith.mulf %mul3A_367, %mul3A_368 : vector<8x4096xf32>
    %sin3A_370 = math.sin %mul3A_369 : vector<8x4096xf32>
    %slice3A_371 = vector.extract_strided_slice %mul3A_39 {offsets = [7, 0], sizes = [1, 4096], strides = [1, 1]} : vector<8x4096xf32> to vector<1x4096xf32>
    %mul3A_372 = vector.broadcast %slice3A_371 : vector<1x4096xf32> to vector<8x4096xf32>
    %mul3A_373 = arith.mulf %sin3A_370, %mul3A_372 : vector<8x4096xf32>
    %dot_general3A_374 = arith.constant dense<0.000000e+00> : vector<128x4096xf32>
    %dot_general3A_375 = tpu.matmul %get3A_52, %mul3A_373, %dot_general3A_374 {dimension_numbers = #tpu.dot_dimension_numbers<[1], [0], [0], [1], [0, 0, 1, 1], [], []>, transpose_lhs_hint = false} : vector<128x8xf32>, vector<8x4096xf32>, vector<128x4096xf32> -> vector<128x4096xf32>
    %add3A_376 = vector.broadcast %get3A_55 : vector<128x1xf32> to vector<128x4096xf32>
    %add3A_377 = arith.addf %dot_general3A_375, %add3A_376 : vector<128x4096xf32>
    %logistic3A_378 = arith.negf %add3A_377 : vector<128x4096xf32>
    %logistic3A_379 = math.exp %logistic3A_378 : vector<128x4096xf32>
    %logistic3A_380 = arith.constant 1.000000e+00 : f32
    %logistic3A_381 = vector.broadcast %logistic3A_380 : f32 to vector<128x4096xf32>
    %logistic3A_382 = arith.addf %logistic3A_381, %logistic3A_379 : vector<128x4096xf32>
    %logistic3A_383 = arith.divf %logistic3A_381, %logistic3A_382 : vector<128x4096xf32>
    %mul3A_384 = arith.mulf %add3A_377, %logistic3A_383 : vector<128x4096xf32>
    %slice3A_385 = vector.extract_strided_slice %get3A_45 {offsets = [7, 0], sizes = [1, 4096], strides = [1, 1]} : vector<8x4096xi32> to vector<1x4096xi32>
    %eq3A_386 = vector.broadcast %slice3A_385 : vector<1x4096xi32> to vector<16x4096xi32>
    %eq3A_387 = vector.broadcast %iota3A_49 : vector<16x1xi32> to vector<16x4096xi32>
    %eq3A_388 = arith.cmpi eq, %eq3A_386, %eq3A_387 : vector<16x4096xi32>
    %convert_element_type3A_389 = arith.extui %eq3A_388 : vector<16x4096xi1> to vector<16x4096xi32>
    %convert_element_type3A_390 = arith.sitofp %convert_element_type3A_389 : vector<16x4096xi32> to vector<16x4096xf32>
    %dot_general3A_391 = arith.constant dense<0.000000e+00> : vector<128x4096xf32>
    %dot_general3A_392 = tpu.matmul %get3A_58, %convert_element_type3A_390, %dot_general3A_391 {dimension_numbers = #tpu.dot_dimension_numbers<[1], [0], [0], [1], [0, 0, 1, 1], [], []>, precision = #tpu.contract_precision<fp32>, transpose_lhs_hint = false} : vector<128x16xf32>, vector<16x4096xf32>, vector<128x4096xf32> -> vector<128x4096xf32>
    %get3A_393 = arith.constant 0 : index
    %get3A_394 = arith.constant 0 : index
    %get3A_395 = vector.load %arg8[%get3A_393, %get3A_394] : memref<128x4096xf32, #tpu.memory_space<vmem>>, vector<128x4096xf32>
    %jit3A_396 = arith.constant 0.000000e+00 : f32
    %broadcast_in_dim3A_397 = vector.shape_cast %lt3A_365 : vector<1x4096xi1> to vector<1x4096xi1>
    %broadcast_in_dim3A_398 = vector.broadcast %broadcast_in_dim3A_397 : vector<1x4096xi1> to vector<128x4096xi1>
    %broadcast_in_dim3A_399 = vector.broadcast %jit3A_396 : f32 to vector<128x4096xf32>
    %select_n3A_400 = arith.select %broadcast_in_dim3A_398, %dot_general3A_392, %broadcast_in_dim3A_399 : vector<128x4096xi1>, vector<128x4096xf32>
    %mul3A_401 = arith.mulf %select_n3A_400, %mul3A_384 : vector<128x4096xf32>
    %add3A_402 = arith.addf %get3A_395, %mul3A_401 : vector<128x4096xf32>
    %swap3A_403 = arith.constant 0 : index
    %swap3A_404 = arith.constant 0 : index
    %swap3A_405 = vector.load %arg8[%swap3A_403, %swap3A_404] : memref<128x4096xf32, #tpu.memory_space<vmem>>, vector<128x4096xf32>
    tpu.vector_store %arg8[%swap3A_403, %swap3A_404], %add3A_402 {strides = array<i32>} : memref<128x4096xf32, #tpu.memory_space<vmem>>, vector<128x4096xf32>,
    %eq3A_406 = arith.constant 13 : i32
    %eq3A_407 = arith.cmpi eq, %arg0, %eq3A_406 : i32
    %convert_element_type3A_408 = arith.extui %eq3A_407 : i1 to i32
    %cond3A_409 = arith.constant 0 : i32
    %cond3A_410 = arith.cmpi ne, %convert_element_type3A_408, %cond3A_409 : i32
    scf.if %cond3A_410 {
      %get3A_411 = arith.constant 0 : index
      %get3A_412 = arith.constant 0 : index
      %get3A_413 = vector.load %arg8[%get3A_411, %get3A_412] : memref<128x4096xf32, #tpu.memory_space<vmem>>, vector<128x4096xf32>
      %logistic3A_414 = arith.negf %get3A_413 : vector<128x4096xf32>
      %logistic3A_415 = math.exp %logistic3A_414 : vector<128x4096xf32>
      %logistic3A_416 = arith.constant 1.000000e+00 : f32
      %logistic3A_417 = vector.broadcast %logistic3A_416 : f32 to vector<128x4096xf32>
      %logistic3A_418 = arith.addf %logistic3A_417, %logistic3A_415 : vector<128x4096xf32>
      %logistic3A_419 = arith.divf %logistic3A_417, %logistic3A_418 : vector<128x4096xf32>
      %mul3A_420 = arith.mulf %get3A_413, %logistic3A_419 : vector<128x4096xf32>
      %get3A_421 = arith.constant 0 : index
      %get3A_422 = arith.constant 0 : index
      %get3A_423 = vector.load %arg5[%get3A_421, %get3A_422] : memref<1x128xf32, #tpu.memory_space<vmem>>, vector<1x128xf32>
      %dot_general3A_424 = arith.constant dense<0.000000e+00> : vector<1x4096xf32>
      %dot_general3A_425 = tpu.matmul %get3A_423, %mul3A_420, %dot_general3A_424 {dimension_numbers = #tpu.dot_dimension_numbers<[1], [0], [0], [1], [0, 0, 1, 1], [], []>, transpose_lhs_hint = false} : vector<1x128xf32>, vector<128x4096xf32>, vector<1x4096xf32> -> vector<1x4096xf32>
      %reduce_sum3A = arith.constant dense<0.000000e+00> : vector<1xf32>
      %reduce_sum3A_426 = vector.multi_reduction <add>, %dot_general3A_425, %reduce_sum3A [1] : vector<1x4096xf32> to vector<1xf32>
      %broadcast_in_dim3A_427 = vector.shape_cast %reduce_sum3A_426 : vector<1xf32> to vector<1x1xf32>
      %swap3A_428 = arith.constant 0 : index
      %swap3A_429 = arith.constant 0 : index
      %swap3A_430 = vector.load %arg7[%swap3A_428, %swap3A_429] : memref<1x1xf32, #tpu.memory_space<vmem>>, vector<1x1xf32>
      tpu.vector_store %arg7[%swap3A_428, %swap3A_429], %broadcast_in_dim3A_427 {strides = array<i32>} : memref<1x1xf32, #tpu.memory_space<vmem>>, vector<1x1xf32>,
    } else {
    }
    return
  }
  func.func @transform_0(%arg0: i32) -> (i32, i32) {
    %c0_i32 = arith.constant 0 : i32
    %c0_i32_0 = arith.constant 0 : i32
    return %arg0, %c0_i32 : i32, i32
  }
  func.func @transform_1(%arg0: i32) -> (i32, i32) {
    %c0_i32 = arith.constant 0 : i32
    %c0_i32_0 = arith.constant 0 : i32
    return %arg0, %c0_i32 : i32, i32
  }
  func.func @transform_2(%arg0: i32) -> (i32, i32) {
    %c0_i32 = arith.constant 0 : i32
    %c0_i32_0 = arith.constant 0 : i32
    %c0_i32_1 = arith.constant 0 : i32
    return %c0_i32, %c0_i32_0 : i32, i32
  }
  func.func @transform_3(%arg0: i32) -> (i32, i32) {
    %c0_i32 = arith.constant 0 : i32
    %c0_i32_0 = arith.constant 0 : i32
    %c0_i32_1 = arith.constant 0 : i32
    return %c0_i32, %c0_i32_0 : i32, i32
  }
  func.func @transform_4(%arg0: i32) -> (i32, i32) {
    %c0_i32 = arith.constant 0 : i32
    %c0_i32_0 = arith.constant 0 : i32
    %c0_i32_1 = arith.constant 0 : i32
    return %c0_i32, %c0_i32_0 : i32, i32
  }
  func.func @transform_5(%arg0: i32) -> (i32, i32) {
    %c0_i32 = arith.constant 0 : i32
    %c0_i32_0 = arith.constant 0 : i32
    %c0_i32_1 = arith.constant 0 : i32
    return %c0_i32, %c0_i32_0 : i32, i32
  }
  func.func @transform_6(%arg0: i32) -> (i32, i32) {
    %c0_i32 = arith.constant 0 : i32
    %c0_i32_0 = arith.constant 0 : i32
    %c0_i32_1 = arith.constant 0 : i32
    return %c0_i32, %c0_i32_0 : i32, i32
  }
}

</mosaic_0001>

<sc_bundles>
// kernel: kernel.5.cloned.1.call-start
scs
__scs_entry_jumppad:
0x0: {  	(pc) =	sbr.rel $0x88, $3  }
0x1: {  	(tag) =	ssettag $0x0;
	lr =	simm.s32 $0x1  }
0x2: {  	[smem:$0x3F9A] =	sst lr;
	_ =	strace $0xD0000000  }
0x3: {  	_ = 	snop  }
0x4: {  	_ = 	snop  }
0x5: {  	_ = 	snop  }
0x6: {  	_ = 	snop  }
0x7: {  	_ = 	snop  }
__scs_overlays_trampoline_lowered:
0x8: {  	[smem:$0x3FA9] =	sst s0  }
0x9: {  	[smem:$0x3FAA] =	sst s1  }
0xa: {  	[smem:$0x3FAB] =	sst s2  }
0xb: {  	[smem:$0x3FAC] =	sst s3  }
0xc: {  	[smem:$0x3FAD] =	sst s4  }
0xd: {  	[smem:$0x3FAE] =	sst s5  }
0xe: {  	[smem:$0x3FAF] =	sst s6  }
0xf: {  	[smem:$0x3FB0] =	sst s7  }
0x10: {  	[smem:$0x3FB1] =	sst s8  }
0x11: {  	[smem:$0x3FB2] =	sst s9;
	s0 =	simm.s32 @!p0 $0x0  }
0x12: {  	s1 =	sld [smem:$0x3F98];
	s0 =	simm.s32 @p0 $0x1  }
0x13: {  	[smem:$0x3FB3] =	sst s0;
	s0 =	simm.s32 @!p1 $0x0  }
0x14: {  	s2 =	sld [smem:$0x3F97];
	s0 =	simm.s32 @p1 $0x1  }
0x15: {  	[smem:$0x3FB4] =	sst s0;
	s0 =	simm.s32 @!p2 $0x0  }
0x16: {  	s3 =	sld [smem:$0x3FDB];
	s0 =	simm.s32 @p2 $0x1  }
0x17: {  	s4 =	simm.s32 $0x1BF5;
	[smem:$0x3FB6] =	sst s0  }
0x18: {  	s0 =	sld [smem:$0x3F99];
	_ =	swait.ge [sflag:s4], $0x0  }
0x19: {  	s7 =	sld [smem:$0x3F9A]  }
0x1a: {  	s8 =	sadd.s32 $0xFFFFE003, lr  }
0x1b: {  	s9 =	sadd.s32 $0xFFFFFEF7, lr;
	s5 =	simm.s32 $0xFFFFFFFF;
	p2 =	slt.u32 s8, $0xFFFFF086  }
0x1c: {  	p1 =	slt.u32 s9, $0xF7A;
	s5 =	simm.s32 @!p2 $0x0  }
0x1d: {  	s5 =	simm.s32 @p1 $0x1;
	p0 =	seq.s32 s7, s2  }
0x1e: {  	s7 =	smul.u32 @!p0 $0xF7A, s2;
	p2 =	seq.s32 @!p0 s5, $0x0  }
0x1f: {  	s9 =	smul.u32 $0xF7A, s1;
	s8 =	simm.s32 @!p0 $0x1BF5;
	p2 =	por !p2, p0  }
0x20: {  	[sflag:s8] =	ssyncset.s32 @!p0 $0xFFFFF086;
	s6 =	sadd.s32 @!p0 s3, s7;
	s7 =	simm.s32 @!p0 $0x108  }
0x21: {  	s3 =	sadd.s32 s3, s9;
	s6 =	sadd.s32 @!p0 $0x88, s6;
	s7 =	simm.s32 @p2 $0x1082  }
0x22: {  	[simem:s7], [sflag:s8] =	dma.local @!p0 [hbm:s6], $0xF7A  }
0x23: {  	s9 =	sor.u32 $0xD0000000, s2;
	s6 =	simm.s32 $0x108;
	_ =	swait.ge @!p0 [sflag:s8], $0x0  }
0x24: {  	s3 =	sadd.s32 $0x88, s3;
	s6 =	simm.s32 @!p1 $0x1082;
	[sflag:s4] =	ssyncset.s32 $0xFFFFF086  }
0x25: {  	[simem:s6], [sflag:s4] =	dma.local [hbm:s3], $0xF7A  }
0x26: {  	[smem:$0x3F9A] =	sst s1;
	(tag) =	ssettag s2;
	_ =	strace s9  }
0x27: {  	s1 =	sld [smem:$0x3FAA]  }
0x28: {  	s2 =	sld [smem:$0x3FAB]  }
0x29: {  	s4 =	sld [smem:$0x3FAD]  }
0x2a: {  	p0 =	seq.s32 s5, $0x0;
	s5 =	sld [smem:$0x3FAE]  }
0x2b: {  	s6 =	sld [smem:$0x3FAF]  }
0x2c: {  	s7 =	sld [smem:$0x3FB0]  }
0x2d: {  	s3 =	simm.s32 $0x108;
	s8 =	sld [smem:$0x3FB1]  }
0x2e: {  	s3 =	simm.s32 @!p0 $0x1082;
	s9 =	sld [smem:$0x3FB2]  }
0x2f: {  	lr =	sadd.s32 s0, s3;
	s0 =	sld [smem:$0x3FA9]  }
0x30: {  	s3 =	sld [smem:$0x3FAC]  }
0x31: {  	[smem:$0x3FB5] =	sst s10  }
0x32: {  	s10 =	sld [smem:$0x3FB3];
	_ =	sdelay $0x3  }
0x33: {  	p0 =	seq.s32 s10, $0x1;
	s10 =	sld [smem:$0x3FB5];
	_ =	sdelay $0x3  }
0x34: {  	[smem:$0x3FB5] =	sst s10  }
0x35: {  	s10 =	sld [smem:$0x3FB4];
	_ =	sdelay $0x3  }
0x36: {  	p1 =	seq.s32 s10, $0x1;
	s10 =	sld [smem:$0x3FB5];
	_ =	sdelay $0x3  }
0x37: {  	[smem:$0x3FB5] =	sst s10  }
0x38: {  	s10 =	sld [smem:$0x3FB6]  }
0x39: {  	_ = 	snop;
	(pc) =	sbr.ind lr, $3  }
0x3a: {  	_ = 	snop  }
0x3b: {  	_ = 	snop  }
0x3c: {  	p2 =	seq.s32 s10, $0x1;
	s10 =	sld [smem:$0x3FB5]  }
0x3d: {  	_ =	shalt  }
0x3e: {  	_ =	shalt  }
0x3f: {  	_ =	shalt  }
0x40: {  	_ =	shalt  }
0x41: {  	_ =	shalt  }
0x42: {  	_ =	shalt  }
0x43: {  	_ =	shalt  }
0x44: {  	_ =	shalt  }
0x45: {  	_ =	shalt  }
0x46: {  	_ =	shalt  }
0x47: {  	_ =	shalt  }
0x48: {  	_ =	shalt  }
0x49: {  	_ =	shalt  }
0x4a: {  	_ =	shalt  }
0x4b: {  	_ =	shalt  }
0x4c: {  	_ =	shalt  }
0x4d: {  	_ =	shalt  }
0x4e: {  	_ =	shalt  }
0x4f: {  	_ =	shalt  }
0x50: {  	_ =	shalt  }
0x51: {  	_ =	shalt  }
0x52: {  	_ =	shalt  }
0x53: {  	_ =	shalt  }
0x54: {  	_ =	shalt  }
0x55: {  	_ =	shalt  }
0x56: {  	_ =	shalt  }
0x57: {  	_ =	shalt  }
0x58: {  	_ =	shalt  }
0x59: {  	_ =	shalt  }
0x5a: {  	_ =	shalt  }
0x5b: {  	_ =	shalt  }
0x5c: {  	_ =	shalt  }
0x5d: {  	_ =	shalt  }
0x5e: {  	_ =	shalt  }
0x5f: {  	_ =	shalt  }
0x60: {  	_ =	shalt  }
0x61: {  	_ =	shalt  }
0x62: {  	_ =	shalt  }
0x63: {  	_ =	shalt  }
0x64: {  	_ =	shalt  }
0x65: {  	_ =	shalt  }
0x66: {  	_ =	shalt  }
0x67: {  	_ =	shalt  }
0x68: {  	_ =	shalt  }
0x69: {  	_ =	shalt  }
0x6a: {  	_ =	shalt  }
0x6b: {  	_ =	shalt  }
0x6c: {  	_ =	shalt  }
0x6d: {  	_ =	shalt  }
0x6e: {  	_ =	shalt  }
0x6f: {  	_ =	shalt  }
0x70: {  	_ =	shalt  }
0x71: {  	_ =	shalt  }
0x72: {  	_ =	shalt  }
0x73: {  	_ =	shalt  }
0x74: {  	_ =	shalt  }
0x75: {  	_ =	shalt  }
0x76: {  	_ =	shalt  }
0x77: {  	_ =	shalt  }
0x78: {  	_ =	shalt  }
0x79: {  	_ =	shalt  }
0x7a: {  	_ =	shalt  }
0x7b: {  	_ =	shalt  }
0x7c: {  	_ =	shalt  }
0x7d: {  	_ =	shalt  }
0x7e: {  	_ =	shalt  }
0x7f: {  	_ =	shalt  }
0x80: {  	_ =	shalt  }
0x81: {  	_ =	shalt  }
0x82: {  	_ =	shalt  }
0x83: {  	_ =	shalt  }
0x84: {  	_ =	shalt  }
0x85: {  	_ =	shalt  }
0x86: {  	_ =	shalt  }
0x87: {  	_ =	shalt  }
.Lfunc_end0:
.L_simem_size_0:
called_computation_lowered:
.L_overlay_start_0:
0x88: {  	s2 =	sld [smem:$0x3FD9]  }
0x89: {  	s3 =	sld [smem:$0x3FFE];
	_ =	sdelay $0x1  }
0x8a: {  	s1 =	srdreg.scid  }
0x8b: {  	s0 =	sand.u32 $0x1, s1  }
0x8c: {  	s17 =	sshll.u32 s0, $0xA;
	s2 =	sadd.s32 s3, s2  }
0x8d: {  	s2 =	sadd.s32 s2, s17  }
0x8e: {  	[smem:$0x3FC1] =	sst s2  }
0x8f: {  	_ = 	snop  }
0x90: {  	s2 =	sld [smem:$0x3FC7];
	(tm) =	ssettm $0x1  }
0x91: {  	s18 =	sld [smem:$0x3FFB];
	_ =	sdelay $0x3  }
0x92: {  	_ =	strace s18  }
0x93: {  	s3 =	sld [smem:$0x3FFC];
	_ =	sdelay $0x3  }
0x94: {  	_ =	strace s3  }
0x95: {  	s3 =	sld [smem:$0x3FFD];
	_ =	sdelay $0x3  }
0x96: {  	_ =	strace s3  }
0x97: {  	_ =	strace $0x8FFFFFFF  }
0x98: {  	s19 =	sld [smem:$0x3FDB];
	_ =	sdelay $0x1  }
0x99: {  	s4 =	simm.s32 $_scs_section_size  }
0x9a: {  	s5 =	simm.s32 $_size__tile_overlayer_lowered;
	s6 =	simm.s32 $_tile_overlayer_lowered  }
0x9b: {  	s22 =	simm.s32 $0x1BFF;
	s21 =	sshll.u32 s6, $0x1;
	s3 =	sadd.s32 s4, s19  }
0x9c: {  	s7 =	simm.s32 $0x0;
	s20 =	sshll.u32 s5, $0x1;
	s5 =	sadd.s32 s21, s3  }
0x9d: {  	[timem:s7], [sflag:s22] =	dma.local [hbm:s5], s20  }
0x9e: {  	_ =	swait.ge [sflag:s22], s20  }
0x9f: {  	s4 =	ssub.s32 $0x0, s20;
	[sflag:s22] =	ssyncset.done $0x0  }
0xa0: {  	[sflag:s22] =	ssyncadd.s32 s4;
	_ =	sdelay $0x1  }
0xa1: {  	s23 =	simm.s32 $0x1B8B  }
0xa2: {  	_ =	swait.ge [sflag:s23], $0x1  }
0xa3: {  	[sflag:s23] =	ssyncset.done $0x0  }
0xa4: {  	s25 =	simm.s32 $0x1B8E;
	s24 =	sld [smem:$0x3FFE];
	[sflag:s23] =	ssyncadd.s32 $0xFFFFFFFF  }
0xa5: {  	s26 =	simm.s32 $execute0_lowered;
	[smem:$0x3FD2] =	sst s25  }
0xa6: {  	s5 =	sshll.u32 s26, $0x1;
	_ =	strace $0x80000046;
	[dreg:$0x1] =	wrdreg $0xFFFFFFFF  }
0xa7: {  	s28 =	simm.s32 $_size_execute0_lowered;
	s3 =	sadd.s32 s3, s5;
	[dreg:$0x0] =	wrdreg $0x0  }
0xa8: {  	s5 =	sshll.u32 s28, $0x1;
	[dreg:$0x2] =	wrdreg s3  }
0xa9: {  	[dreg:$0x3] =	wrdreg s5  }
0xaa: {  	[dreg:$0x4] =	wrdreg $0xC0  }
0xab: {  	_ =	task [dreg:s7], $0x5FFFF  }
0xac: {  	[dreg:$0x1] =	wrdreg $0xFFFFFFFF  }
0xad: {  	[dreg:$0x0] =	wrdreg $0x60  }
0xae: {  	[dreg:$0x2] =	wrdreg s24  }
0xaf: {  	[dreg:$0x3] =	wrdreg s2  }
0xb0: {  	[dreg:$0x4] =	wrdreg $0x9  }
0xb1: {  	_ =	task.clear_ibuf [dreg:s7], $0x5FFFF;
	_ =	strace $0x90000046  }
0xb2: {  	s29 =	simm.s32 $0x9;
	_ =	strace $0x80000048  }
0xb3: {  	_ =	swait.ge [sflag:s29], $0x1  }
0xb4: {  	[sflag:s29] =	ssyncadd.s32 $0xFFFFFFFF  }
0xb5: {  	_ =	strace $0x90000048  }
0xb6: {  	_ =	sfence  }
0xb7: {  	s30 =	sld [smem:$0x0];
	_ =	sdelay $0x2  }
0xb8: {  	s31 =	sshll.u32 s1, $0xD;
	s1 =	sshrl.u32 s1, $0x2  }
0xb9: {  	s3 =	sand.u32 $0x4000, s31;
	s1 =	sadd.s32 s1, s30  }
0xba: {  	s0 =	sor.u32 s3, s0;
	s1 =	sshll.u32 s1, $0x11  }
0xbb: {  	s0 =	sor.u32 s1, s0  }
0xbc: {  	s0 =	sadd.s32 $0x8F2B, s0  }
0xbd: {  	[sflag:s0] =	ssyncadd.remote.s32 $0x1  }
0xbe: {  	_ =	sfence.sel $0xFFFF  }
0xbf: {  	[dreg:$0x0] =	wrdreg $0xFFFFFFFF;
	(pc) =	sbr.abs _section_cstart, $3  }
0xc0: {  	[dreg:$0x1] =	wrdreg $0xFFFFFFFF  }
0xc1: {  	_ =	task.clear_ibuf [dreg:s7], $0x2FFFF;
	_ =	strace $0x9FFFFFFF  }
0xc2: {  	(tm) =	ssettm $0x7FFFFFFF  }
0xc3: {  	_ =	shalt  }
tec
execute0_lowered:
.L_overlay_start_1:
0x0: {  	(tag) =	ssettag $0x1  }
0x1: {  	s4 =	rddreg [dreg:$0x0];
	s1 =	srdreg.scid  }
0x2: {  	s0 =	stileid.u32;
	s2 =	rddreg [dreg:$0x1]  }
0x3: {  	s3 =	simm.s32 $0x0;
	s10 =	simm.s32 $0x1;
	s11 =	simm.s32 $0x80  }
0x4: {  	s12 =	simm.s32 $0x400;
	s13 =	simm.s32 $0x1000;
	s14 =	simm.s32 $0xA000  }
0x5: {  	s15 =	simm.s32 $0xA100;
	s16 =	simm.s32 $0xA600;
	s17 =	simm.s32 $0xDE00  }
0x6: {  	s18 =	simm.s32 $0x0;
	s5 =	sand.u32 $0x1, s1;
	s1 =	rddreg [dreg:$0x2]  }
0x7: {  	s6 =	sshll.u32 s0, $0x1;
	[smem:$0x7FF] =	sst s3;
	s7 =	sshrl.u32 s0, $0x2  }
0x8: {  	v0 =	vimm.f32 $1.000000000e+06;
	s6 =	sor.u32 s5, s6;
	s9 =	sshll.u32 s7, $0x12;
	s7 =	smul.u32 $0x1C000, s7  }
0x9: {  	v2 =	vlaneseq.u32;
	v3 =	vimm.s32 $0xF;
	v19 =	vimm.f32 $1.000000000e+00;
	_ =	strace $0x80000047;
	s5 =	ssub.s32 $0x2, s5;
	s8 =	sshll.u32 s6, $0x7  }
0xa: {  	v4 =	vor.u32 $0x10, v2;
	v5 =	vor.u32 $0x20, v2;
	v6 =	vor.u32 $0x30, v2;
	s6 =	sshll.u32 s6, $0x10;
	s30 =	sshrl.u32 s5, $0x1;
	s8 =	sand.u32 $0x380, s8  }
.Ltmp0:
0xb: {  	v7 =	vor.u32 $0x40, v2;
	v8 =	vor.u32 $0x50, v2;
	v9 =	vor.u32 $0x60, v2;
	s6 =	sadd.s32 s6, s4;
	s9 =	sor.u32 s9, s8;
	(pc) =	sbr.rel .LBB2_1-.Ltmp0, $4  }
0xc: {  	v10 =	vor.u32 $0x70, v2;
	v11 =	vor.u32 $0x80, v2;
	v12 =	vor.u32 $0x90, v2;
	s31 =	ssub.s32 s5, s30;
	s7 =	sor.u32 s7, s8;
	s9 =	sshrl.u32 s9, $0x3  }
0xd: {  	v13 =	vor.u32 $0xA0, v2;
	v14 =	vor.u32 $0xB0, v2;
	v15 =	vor.u32 $0xC0, v2;
	s5 =	sadd.s32 $0x1A00, s6;
	s7 =	sshrl.u32 s7, $0x3;
	s29 =	sadd.s32 s9, s4  }
0xe: {  	v16 =	vor.u32 $0xD0, v2;
	v17 =	vor.u32 $0xE0, v2;
	v18 =	vor.u32 $0xF0, v2;
	s7 =	sadd.s32 s7, s4;
	s9 =	simm.s32 $0x9000;
	s4 =	sadd.s32 $0x201A00, s29  }
0xf: {  	v1 =	vimm.s32 $0x0;
	v19 =	vand.u32 $0x7FFFFFFF, v19;
	s8 =	smax.u32 s31, $0x1;
	s6 =	sadd.s32 $0x22FA00, s7;
	s7 =	sadd.s32 $0x221A00, s7  }
.LBB2_7:
0x10: {  	[hbm4b:s6+s11] =	stream.strided.scatter [tilespmem:s16], [sflag:$0x1], $0x3800, s12, s11, $0x38;
	[tilespmem:$0x11600] =	vst v63  }
0x11: {  	s18 =	sadd.s32 $0x1, s18;
	_ =	swait.ge [sflag:s10], $0x3800  }
0x12: {  	p0 =	sne.s32 s18, s8;
	[sflag:s10] =	ssyncset.done $0x0  }
.Ltmp1:
0x13: {  	[sflag:s10] =	ssyncadd.s32 $0xFFFFC800;
	(pc) =	sbr.rel @!p0 .LBB2_8-.Ltmp1, $4  }
0x14: {  	[hbm4b:s7+s11] =	stream.strided.scatter [tilespmem:s17], [sflag:$0x1], $0x3800, s12, s11, $0x38;
	[tilespmem:$0x11600] =	vst v63  }
0x15: {  	_ =	swait.ge [sflag:s10], $0x3800  }
0x16: {  	[sflag:s10] =	ssyncset.done $0x0  }
0x17: {  	[sflag:s10] =	ssyncadd.s32 $0xFFFFC800  }
.LBB2_1:
0x18: {  	[tilespmem:s9], [sflag:$0x1] =	stream.linear.gather [hbm4b:s2+s3], $0x1000, $0x38;
	[tilespmem:$0x11600] =	vst v63  }
0x19: {  	_ =	swait.ge [sflag:s10], $0x1000  }
0x1a: {  	[sflag:s10] =	ssyncset.done $0x0  }
.Ltmp2:
0x1b: {  	[sflag:s10] =	ssyncadd.s32 $0xFFFFF000;
	(pc) =	sbr.rel .LBB2_2-.Ltmp2, $4  }
0x1c: {  	[tilespmem:s13], [sflag:$0x1] =	stream.strided.gather [hbm4b:s4+s11], $0x8000, s12, s11, $0x38;
	[tilespmem:$0x11600] =	vst v63  }
0x1d: {  	_ =	swait.ge [sflag:s10], $0x8000  }
0x1e: {  	[sflag:s10] =	ssyncset.done $0x0  }
0x1f: {  	s19 =	simm.s32 $0x0;
	[sflag:s10] =	ssyncadd.s32 $0xFFFF8000  }
.LBB2_5:
0x20: {  	(v2sf) =	vpush v20, $0x0;
	_ =	sdelay $0xe  }
0x21: {  	s21 =	spop (v2sf)  }
0x22: {  	s21 =	sshll.u32 s21, $0x4  }
0x23: {  	v20 =	vld [tilespmem:s21+$0x0];
	_ =	sdelay $0x4  }
0x24: {  	v21 =	vsub.f32 $2.500000000e+01, v20;
	_ =	sdelay $0x1  }
0x25: {  	v22 =	vand.u32 $0x80000000, v21;
	vm0 =	vlt.f32 v21, $0.0e+00;
	vm1 =	vgt.f32 v21, $0.0e+00  }
0x26: {  	v22 =	vor.u32 v22, v19;
	vm0 =	vmor vm1, vm0  }
0x27: {  	v21 =	vsel vm0, v22, v21  }
0x28: {  	v21 =	vmax.f32 v21, $0.0e+00  }
0x29: {  	v21 =	vtrunc.f32 v21  }
0x2a: {  	v21 =	vcvt.f32.s32 v21  }
0x2b: {  	v63 =	vld [tilespmem:s20+$0x0]  }
0x2c: {  	(xrf0) =	vadd.scan.msk.s32 $0xffff, v21;
	_ =	sdelay $0x3  }
0x2d: {  	v22 =	vadd.s32 $0xFFFFFF00, v63  }
0x2e: {  	v22 =	vbroadcast v22, $0x0  }
0x2f: {  	v23, _, _ =	vpop (xrf0)  }
0x30: {  	v22 =	vadd.s32 v23, v22  }
0x31: {  	v21 =	vmul.u32 v21, v22;
	_ =	sdelay $0x1  }
0x32: {  	v21 =	vadd.s32 $0xFF, v21;
	_ =	sdelay $0x4  }
0x33: {  	[tilespmem:v21+s14+$0x0] =	vst.idx.msk $0xffff, v20  }
0x34: {  	v20 =	vld [tilespmem:s21+$0x9000];
	_ =	sdelay $0x4  }
0x35: {  	[tilespmem:v21+s15+$0x0] =	vst.idx.msk $0xffff, v20  }
.LBB2_6:
0x36: {  	v20 =	vmul.u32 $0x80, v2;
	_ =	sdelay $0x1  }
0x37: {  	v22 =	vld [tilespmem:$0xA000];
	v21 =	vor.u32 s19, v20;
	_ =	sdelay $0x4  }
0x38: {  	[tilespmem:v21+s16+$0x0] =	vst.idx.msk $0xffff, v22  }
0x39: {  	v22 =	vld [tilespmem:$0xA100];
	_ =	sdelay $0x4  }
0x3a: {  	v59 =	vor.u32 $0x800, v20;
	[tilespmem:v21+s17+$0x0] =	vst.idx.msk $0xffff, v22  }
0x3b: {  	v21 =	vor.u32 s19, v59;
	v22 =	vld [tilespmem:$0xA010];
	_ =	sdelay $0x4  }
0x3c: {  	[tilespmem:v21+s16+$0x0] =	vst.idx.msk $0xffff, v22  }
0x3d: {  	v22 =	vld [tilespmem:$0xA110];
	_ =	sdelay $0x4  }
0x3e: {  	v60 =	vor.u32 $0x1000, v20;
	[tilespmem:v21+s17+$0x0] =	vst.idx.msk $0xffff, v22  }
0x3f: {  	v21 =	vor.u32 s19, v60;
	v22 =	vld [tilespmem:$0xA020];
	_ =	sdelay $0x4  }
0x40: {  	[tilespmem:v21+s16+$0x0] =	vst.idx.msk $0xffff, v22  }
0x41: {  	v22 =	vld [tilespmem:$0xA120];
	_ =	sdelay $0x4  }
0x42: {  	v61 =	vor.u32 $0x1800, v20;
	[tilespmem:v21+s17+$0x0] =	vst.idx.msk $0xffff, v22  }
0x43: {  	v21 =	vor.u32 s19, v61;
	v22 =	vld [tilespmem:$0xA030];
	_ =	sdelay $0x4  }
0x44: {  	[tilespmem:v21+s16+$0x0] =	vst.idx.msk $0xffff, v22  }
0x45: {  	v22 =	vld [tilespmem:$0xA130];
	_ =	sdelay $0x4  }
0x46: {  	v62 =	vor.u32 $0x2000, v20;
	[tilespmem:v21+s17+$0x0] =	vst.idx.msk $0xffff, v22  }
0x47: {  	v21 =	vor.u32 s19, v62;
	v22 =	vld [tilespmem:$0xA040];
	_ =	sdelay $0x4  }
0x48: {  	[tilespmem:v21+s16+$0x0] =	vst.idx.msk $0xffff, v22  }
0x49: {  	v22 =	vld [tilespmem:$0xA140];
	_ =	sdelay $0x4  }
0x4a: {  	v63 =	vor.u32 $0x2800, v20;
	[tilespmem:v21+s17+$0x0] =	vst.idx.msk $0xffff, v22  }
0x4b: {  	v21 =	vor.u32 s19, v63;
	v22 =	vld [tilespmem:$0xA050];
	_ =	sdelay $0x4  }
0x4c: {  	[tilespmem:v21+s16+$0x0] =	vst.idx.msk $0xffff, v22  }
0x4d: {  	v22 =	vld [tilespmem:$0xA150];
	_ =	sdelay $0x4  }
0x4e: {  	v20 =	vor.u32 $0x3000, v20;
	[tilespmem:v21+s17+$0x0] =	vst.idx.msk $0xffff, v22  }
0x4f: {  	v20 =	vor.u32 s19, v20;
	v21 =	vld [tilespmem:$0xA060];
	_ =	sdelay $0x4  }
0x50: {  	s19 =	sadd.s32 $0x1, s19;
	[tilespmem:v20+s16+$0x0] =	vst.idx.msk $0xffff, v21  }
0x51: {  	p0 =	sne.s32 s19, $0x80;
	v21 =	vld [tilespmem:$0xA160]  }
.Ltmp3:
0x52: {  	_ = 	snop;
	(pc) =	sbr.rel @!p0 .LBB2_7-.Ltmp3, $2  }
0x53: {  	_ =	sdelay $0x2  }
0x54: {  	[tilespmem:v20+s17+$0x0] =	vst.idx.msk $0xffff, v21  }
.LBB2_2:
0x55: {  	s20 =	sshll.u32 s19, $0x9  }
0x56: {  	s21 =	sshll.u32 s19, $0x4;
	s20 =	sand.u32 $0xF000, s20  }
0x57: {  	s21 =	sand.u32 $0x70, s21;
	s20 =	sadd.s32 s20, s5  }
0x58: {  	s20 =	sadd.s32 s21, s20  }
0x59: {  	[tilespmem:s3], [sflag:$0x1] =	stream.strided.gather [hbm4b:s20+s11], $0x1000, s12, s11, $0x38;
	[tilespmem:$0x11600] =	vst v63  }
0x5a: {  	_ =	swait.ge [sflag:s10], $0x1000  }
0x5b: {  	[sflag:s10] =	ssyncset.done $0x0  }
0x5c: {  	[sflag:s10] =	ssyncadd.s32 $0xFFFFF000  }
0x5d: {  	[tilespmem:$0xA000] =	vst v0  }
0x5e: {  	[tilespmem:$0xA100] =	vst v1  }
0x5f: {  	[tilespmem:$0xA010] =	vst v0  }
0x60: {  	[tilespmem:$0xA110] =	vst v1  }
0x61: {  	[tilespmem:$0xA020] =	vst v0  }
0x62: {  	[tilespmem:$0xA120] =	vst v1  }
0x63: {  	[tilespmem:$0xA030] =	vst v0  }
0x64: {  	[tilespmem:$0xA130] =	vst v1  }
0x65: {  	[tilespmem:$0xA040] =	vst v0  }
0x66: {  	[tilespmem:$0xA140] =	vst v1  }
0x67: {  	[tilespmem:$0xA050] =	vst v0  }
0x68: {  	[tilespmem:$0xA150] =	vst v1  }
0x69: {  	[tilespmem:$0xA060] =	vst v0  }
0x6a: {  	[tilespmem:$0xA160] =	vst v1  }
0x6b: {  	[tilespmem:$0xA070] =	vst v0  }
0x6c: {  	[tilespmem:$0xA170] =	vst v1  }
0x6d: {  	s31 =	sshll.u32 s19, $0x8;
	[tilespmem:$0xA080] =	vst v0  }
0x6e: {  	s22 =	sand.u32 $0x3FFFFF00, s31;
	[tilespmem:$0xA180] =	vst v1  }
0x6f: {  	v20 =	vld [tilespmem:s22+$0x1000];
	_ =	sdelay $0x4  }
0x70: {  	vm0 =	vlt.s32 v20, $0x1  }
0x71: {  	(xrf0) =	vadd.scan.msk.s32 $0xffff, v20;
	v21 =	vnsel vm0, $0x1, v20  }
0x72: {  	(xrf0) =	vadd.scan.msk.s32 $0xffff, v21;
	_ =	sdelay $0x4  }
0x73: {  	v22, _, _ =	vpop (xrf0)  }
0x74: {  	v23, _, _ =	vpop (xrf0)  }
0x75: {  	v24 =	vadd.s32 $0xFFFFFE00, v23  }
0x76: {  	v21 =	vmul.u32 v21, v24;
	_ =	sdelay $0x1  }
0x77: {  	v21 =	vadd.s32 $0x1FF, v21;
	_ =	sdelay $0x2  }
0x78: {  	v20 =	vsub.s32 v22, v20  }
0x79: {  	s21 =	simm.s32 $0xA200;
	vm9 =	vlt.s32 v20, $0x70  }
0x7a: {  	s20 =	simm.s32 $0xA400;
	v20 =	vnsel vm9, $0x70, v20;
	[tilespmem:v21+s21+$0x0] =	vst.idx.msk $0xffff, v2  }
0x7b: {  	[tilespmem:v21+s20+$0x0] =	vst.idx.msk $0xffff, v20  }
0x7c: {  	v20 =	vld [tilespmem:s22+$0x1010];
	_ =	sdelay $0x4  }
0x7d: {  	vm10 =	vlt.s32 v20, $0x1  }
0x7e: {  	(xrf0) =	vadd.scan.msk.s32 $0xffff, v20;
	v56 =	vnsel vm10, $0x1, v20  }
0x7f: {  	(xrf0) =	vadd.scan.msk.s32 $0xffff, v56;
	_ =	sdelay $0x4  }
0x80: {  	v23 =	vperm.xlane v23, v3;
	v57, _, _ =	vpop (xrf0)  }
0x81: {  	v25, _, _ =	vpop (xrf0)  }
0x82: {  	v23 =	vadd.s32 v23, v25  }
0x83: {  	v25 =	vadd.s32 $0xFFFFFE00, v23  }
0x84: {  	v21 =	vmul.u32 v56, v25;
	_ =	sdelay $0x1  }
0x85: {  	v22 =	vperm.xlane v22, v3;
	v21 =	vadd.s32 $0x1FF, v21;
	_ =	sdelay $0x1  }
0x86: {  	v22 =	vadd.s32 v22, v57  }
0x87: {  	v20 =	vsub.s32 v22, v20  }
0x88: {  	vm11 =	vlt.s32 v20, $0x70  }
0x89: {  	v20 =	vnsel vm11, $0x70, v20;
	[tilespmem:v21+s21+$0x0] =	vst.idx.msk $0xffff, v4  }
0x8a: {  	[tilespmem:v21+s20+$0x0] =	vst.idx.msk $0xffff, v20  }
0x8b: {  	v20 =	vld [tilespmem:s22+$0x1020];
	_ =	sdelay $0x4  }
0x8c: {  	vm12 =	vlt.s32 v20, $0x1  }
0x8d: {  	(xrf0) =	vadd.scan.msk.s32 $0xffff, v20;
	v58 =	vnsel vm12, $0x1, v20  }
0x8e: {  	(xrf0) =	vadd.scan.msk.s32 $0xffff, v58;
	_ =	sdelay $0x4  }
0x8f: {  	v23 =	vperm.xlane v23, v3;
	v59, _, _ =	vpop (xrf0)  }
0x90: {  	v60, _, _ =	vpop (xrf0)  }
0x91: {  	v23 =	vadd.s32 v23, v60  }
0x92: {  	v25 =	vadd.s32 $0xFFFFFE00, v23  }
0x93: {  	v21 =	vmul.u32 v58, v25;
	_ =	sdelay $0x1  }
0x94: {  	v22 =	vperm.xlane v22, v3;
	v21 =	vadd.s32 $0x1FF, v21;
	_ =	sdelay $0x1  }
0x95: {  	v22 =	vadd.s32 v22, v59  }
0x96: {  	v20 =	vsub.s32 v22, v20  }
0x97: {  	vm13 =	vlt.s32 v20, $0x70  }
0x98: {  	v20 =	vnsel vm13, $0x70, v20;
	[tilespmem:v21+s21+$0x0] =	vst.idx.msk $0xffff, v5  }
0x99: {  	[tilespmem:v21+s20+$0x0] =	vst.idx.msk $0xffff, v20  }
0x9a: {  	v20 =	vld [tilespmem:s22+$0x1030];
	_ =	sdelay $0x4  }
0x9b: {  	vm14 =	vlt.s32 v20, $0x1  }
0x9c: {  	(xrf0) =	vadd.scan.msk.s32 $0xffff, v20;
	v61 =	vnsel vm14, $0x1, v20  }
0x9d: {  	(xrf0) =	vadd.scan.msk.s32 $0xffff, v61;
	_ =	sdelay $0x4  }
0x9e: {  	v23 =	vperm.xlane v23, v3;
	v62, _, _ =	vpop (xrf0)  }
0x9f: {  	v63, _, _ =	vpop (xrf0)  }
0xa0: {  	v23 =	vadd.s32 v23, v63  }
0xa1: {  	v25 =	vadd.s32 $0xFFFFFE00, v23  }
0xa2: {  	v21 =	vmul.u32 v61, v25;
	_ =	sdelay $0x1  }
0xa3: {  	v22 =	vperm.xlane v22, v3;
	v21 =	vadd.s32 $0x1FF, v21;
	_ =	sdelay $0x1  }
0xa4: {  	v22 =	vadd.s32 v22, v62  }
0xa5: {  	v20 =	vsub.s32 v22, v20  }
0xa6: {  	vm15 =	vlt.s32 v20, $0x70  }
0xa7: {  	v20 =	vnsel vm15, $0x70, v20;
	[tilespmem:v21+s21+$0x0] =	vst.idx.msk $0xffff, v6  }
0xa8: {  	[tilespmem:v21+s20+$0x0] =	vst.idx.msk $0xffff, v20  }
0xa9: {  	v20 =	vld [tilespmem:s22+$0x1040];
	_ =	sdelay $0x4  }
0xaa: {  	vm4 =	vlt.s32 v20, $0x1  }
0xab: {  	(xrf0) =	vadd.scan.msk.s32 $0xffff, v20;
	v28 =	vnsel vm4, $0x1, v20  }
0xac: {  	(xrf0) =	vadd.scan.msk.s32 $0xffff, v28;
	_ =	sdelay $0x4  }
0xad: {  	v23 =	vperm.xlane v23, v3;
	v29, _, _ =	vpop (xrf0)  }
0xae: {  	v30, _, _ =	vpop (xrf0)  }
0xaf: {  	v23 =	vadd.s32 v23, v30  }
0xb0: {  	v25 =	vadd.s32 $0xFFFFFE00, v23  }
0xb1: {  	v21 =	vmul.u32 v28, v25;
	_ =	sdelay $0x1  }
0xb2: {  	v22 =	vperm.xlane v22, v3;
	v21 =	vadd.s32 $0x1FF, v21;
	_ =	sdelay $0x1  }
0xb3: {  	v22 =	vadd.s32 v22, v29  }
0xb4: {  	v20 =	vsub.s32 v22, v20  }
0xb5: {  	vm5 =	vlt.s32 v20, $0x70  }
0xb6: {  	v20 =	vnsel vm5, $0x70, v20;
	[tilespmem:v21+s21+$0x0] =	vst.idx.msk $0xffff, v7  }
0xb7: {  	[tilespmem:v21+s20+$0x0] =	vst.idx.msk $0xffff, v20  }
0xb8: {  	v20 =	vld [tilespmem:s22+$0x1050];
	_ =	sdelay $0x4  }
0xb9: {  	vm6 =	vlt.s32 v20, $0x1  }
0xba: {  	(xrf0) =	vadd.scan.msk.s32 $0xffff, v20;
	v31 =	vnsel vm6, $0x1, v20  }
0xbb: {  	(xrf0) =	vadd.scan.msk.s32 $0xffff, v31;
	_ =	sdelay $0x4  }
0xbc: {  	v23 =	vperm.xlane v23, v3;
	v32, _, _ =	vpop (xrf0)  }
0xbd: {  	v33, _, _ =	vpop (xrf0)  }
0xbe: {  	v23 =	vadd.s32 v23, v33  }
0xbf: {  	v25 =	vadd.s32 $0xFFFFFE00, v23  }
0xc0: {  	v21 =	vmul.u32 v31, v25;
	_ =	sdelay $0x1  }
0xc1: {  	v22 =	vperm.xlane v22, v3;
	v21 =	vadd.s32 $0x1FF, v21;
	_ =	sdelay $0x1  }
0xc2: {  	v22 =	vadd.s32 v22, v32  }
0xc3: {  	v20 =	vsub.s32 v22, v20  }
0xc4: {  	vm7 =	vlt.s32 v20, $0x70  }
0xc5: {  	v20 =	vnsel vm7, $0x70, v20;
	[tilespmem:v21+s21+$0x0] =	vst.idx.msk $0xffff, v8  }
0xc6: {  	[tilespmem:v21+s20+$0x0] =	vst.idx.msk $0xffff, v20  }
0xc7: {  	v20 =	vld [tilespmem:s22+$0x1060];
	_ =	sdelay $0x4  }
0xc8: {  	vm8 =	vlt.s32 v20, $0x1  }
0xc9: {  	(xrf0) =	vadd.scan.msk.s32 $0xffff, v20;
	v34 =	vnsel vm8, $0x1, v20  }
0xca: {  	(xrf0) =	vadd.scan.msk.s32 $0xffff, v34;
	_ =	sdelay $0x4  }
0xcb: {  	v23 =	vperm.xlane v23, v3;
	v35, _, _ =	vpop (xrf0)  }
0xcc: {  	v36, _, _ =	vpop (xrf0)  }
0xcd: {  	v23 =	vadd.s32 v23, v36  }
0xce: {  	v25 =	vadd.s32 $0xFFFFFE00, v23  }
0xcf: {  	v21 =	vmul.u32 v34, v25;
	_ =	sdelay $0x1  }
0xd0: {  	v22 =	vperm.xlane v22, v3;
	v21 =	vadd.s32 $0x1FF, v21;
	_ =	sdelay $0x1  }
0xd1: {  	v22 =	vadd.s32 v22, v35  }
0xd2: {  	v20 =	vsub.s32 v22, v20  }
0xd3: {  	vm9 =	vlt.s32 v20, $0x70  }
0xd4: {  	v20 =	vnsel vm9, $0x70, v20;
	[tilespmem:v21+s21+$0x0] =	vst.idx.msk $0xffff, v9  }
0xd5: {  	[tilespmem:v21+s20+$0x0] =	vst.idx.msk $0xffff, v20  }
0xd6: {  	v20 =	vld [tilespmem:s22+$0x1070];
	_ =	sdelay $0x4  }
0xd7: {  	vm10 =	vlt.s32 v20, $0x1  }
0xd8: {  	(xrf0) =	vadd.scan.msk.s32 $0xffff, v20;
	v37 =	vnsel vm10, $0x1, v20  }
0xd9: {  	(xrf0) =	vadd.scan.msk.s32 $0xffff, v37;
	_ =	sdelay $0x4  }
0xda: {  	v23 =	vperm.xlane v23, v3;
	v38, _, _ =	vpop (xrf0)  }
0xdb: {  	v39, _, _ =	vpop (xrf0)  }
0xdc: {  	v23 =	vadd.s32 v23, v39  }
0xdd: {  	v25 =	vadd.s32 $0xFFFFFE00, v23  }
0xde: {  	v21 =	vmul.u32 v37, v25;
	_ =	sdelay $0x1  }
0xdf: {  	v22 =	vperm.xlane v22, v3;
	v21 =	vadd.s32 $0x1FF, v21;
	_ =	sdelay $0x1  }
0xe0: {  	v22 =	vadd.s32 v22, v38  }
0xe1: {  	v20 =	vsub.s32 v22, v20  }
0xe2: {  	vm11 =	vlt.s32 v20, $0x70  }
0xe3: {  	v20 =	vnsel vm11, $0x70, v20;
	[tilespmem:v21+s21+$0x0] =	vst.idx.msk $0xffff, v10  }
0xe4: {  	[tilespmem:v21+s20+$0x0] =	vst.idx.msk $0xffff, v20  }
0xe5: {  	v20 =	vld [tilespmem:s22+$0x1080];
	_ =	sdelay $0x4  }
0xe6: {  	vm12 =	vlt.s32 v20, $0x1  }
0xe7: {  	(xrf0) =	vadd.scan.msk.s32 $0xffff, v20;
	v40 =	vnsel vm12, $0x1, v20  }
0xe8: {  	(xrf0) =	vadd.scan.msk.s32 $0xffff, v40;
	_ =	sdelay $0x4  }
0xe9: {  	v23 =	vperm.xlane v23, v3;
	v41, _, _ =	vpop (xrf0)  }
0xea: {  	v42, _, _ =	vpop (xrf0)  }
0xeb: {  	v23 =	vadd.s32 v23, v42  }
0xec: {  	v25 =	vadd.s32 $0xFFFFFE00, v23  }
0xed: {  	v21 =	vmul.u32 v40, v25;
	_ =	sdelay $0x1  }
0xee: {  	v22 =	vperm.xlane v22, v3;
	v21 =	vadd.s32 $0x1FF, v21;
	_ =	sdelay $0x1  }
0xef: {  	v22 =	vadd.s32 v22, v41  }
0xf0: {  	v20 =	vsub.s32 v22, v20  }
0xf1: {  	vm13 =	vlt.s32 v20, $0x70  }
0xf2: {  	v20 =	vnsel vm13, $0x70, v20;
	[tilespmem:v21+s21+$0x0] =	vst.idx.msk $0xffff, v11  }
0xf3: {  	[tilespmem:v21+s20+$0x0] =	vst.idx.msk $0xffff, v20  }
0xf4: {  	v20 =	vld [tilespmem:s22+$0x1090];
	_ =	sdelay $0x4  }
0xf5: {  	vm14 =	vlt.s32 v20, $0x1  }
0xf6: {  	(xrf0) =	vadd.scan.msk.s32 $0xffff, v20;
	v43 =	vnsel vm14, $0x1, v20  }
0xf7: {  	(xrf0) =	vadd.scan.msk.s32 $0xffff, v43;
	_ =	sdelay $0x4  }
0xf8: {  	v23 =	vperm.xlane v23, v3;
	v44, _, _ =	vpop (xrf0)  }
0xf9: {  	v45, _, _ =	vpop (xrf0)  }
0xfa: {  	v23 =	vadd.s32 v23, v45  }
0xfb: {  	v25 =	vadd.s32 $0xFFFFFE00, v23  }
0xfc: {  	v21 =	vmul.u32 v43, v25;
	_ =	sdelay $0x1  }
0xfd: {  	v22 =	vperm.xlane v22, v3;
	v21 =	vadd.s32 $0x1FF, v21;
	_ =	sdelay $0x1  }
0xfe: {  	v22 =	vadd.s32 v22, v44  }
0xff: {  	v20 =	vsub.s32 v22, v20  }
0x100: {  	vm15 =	vlt.s32 v20, $0x70  }
0x101: {  	v20 =	vnsel vm15, $0x70, v20;
	[tilespmem:v21+s21+$0x0] =	vst.idx.msk $0xffff, v12  }
0x102: {  	[tilespmem:v21+s20+$0x0] =	vst.idx.msk $0xffff, v20  }
0x103: {  	v20 =	vld [tilespmem:s22+$0x10A0];
	_ =	sdelay $0x4  }
0x104: {  	vm4 =	vlt.s32 v20, $0x1  }
0x105: {  	(xrf0) =	vadd.scan.msk.s32 $0xffff, v20;
	v46 =	vnsel vm4, $0x1, v20  }
0x106: {  	(xrf0) =	vadd.scan.msk.s32 $0xffff, v46;
	_ =	sdelay $0x4  }
0x107: {  	v23 =	vperm.xlane v23, v3;
	v47, _, _ =	vpop (xrf0)  }
0x108: {  	v48, _, _ =	vpop (xrf0)  }
0x109: {  	v23 =	vadd.s32 v23, v48  }
0x10a: {  	v25 =	vadd.s32 $0xFFFFFE00, v23  }
0x10b: {  	v21 =	vmul.u32 v46, v25;
	_ =	sdelay $0x1  }
0x10c: {  	v22 =	vperm.xlane v22, v3;
	v21 =	vadd.s32 $0x1FF, v21;
	_ =	sdelay $0x1  }
0x10d: {  	v22 =	vadd.s32 v22, v47  }
0x10e: {  	v20 =	vsub.s32 v22, v20  }
0x10f: {  	vm5 =	vlt.s32 v20, $0x70  }
0x110: {  	v20 =	vnsel vm5, $0x70, v20;
	[tilespmem:v21+s21+$0x0] =	vst.idx.msk $0xffff, v13  }
0x111: {  	[tilespmem:v21+s20+$0x0] =	vst.idx.msk $0xffff, v20  }
0x112: {  	v20 =	vld [tilespmem:s22+$0x10B0];
	_ =	sdelay $0x4  }
0x113: {  	vm6 =	vlt.s32 v20, $0x1  }
0x114: {  	(xrf0) =	vadd.scan.msk.s32 $0xffff, v20;
	v49 =	vnsel vm6, $0x1, v20  }
0x115: {  	(xrf0) =	vadd.scan.msk.s32 $0xffff, v49;
	_ =	sdelay $0x4  }
0x116: {  	v23 =	vperm.xlane v23, v3;
	v50, _, _ =	vpop (xrf0)  }
0x117: {  	v51, _, _ =	vpop (xrf0)  }
0x118: {  	v23 =	vadd.s32 v23, v51  }
0x119: {  	v25 =	vadd.s32 $0xFFFFFE00, v23  }
0x11a: {  	v21 =	vmul.u32 v49, v25;
	_ =	sdelay $0x1  }
0x11b: {  	v22 =	vperm.xlane v22, v3;
	v21 =	vadd.s32 $0x1FF, v21;
	_ =	sdelay $0x1  }
0x11c: {  	v22 =	vadd.s32 v22, v50  }
0x11d: {  	v20 =	vsub.s32 v22, v20  }
0x11e: {  	vm7 =	vlt.s32 v20, $0x70  }
0x11f: {  	v20 =	vnsel vm7, $0x70, v20;
	[tilespmem:v21+s21+$0x0] =	vst.idx.msk $0xffff, v14  }
0x120: {  	[tilespmem:v21+s20+$0x0] =	vst.idx.msk $0xffff, v20  }
0x121: {  	v20 =	vld [tilespmem:s22+$0x10C0];
	_ =	sdelay $0x4  }
0x122: {  	vm8 =	vlt.s32 v20, $0x1  }
0x123: {  	(xrf0) =	vadd.scan.msk.s32 $0xffff, v20;
	v52 =	vnsel vm8, $0x1, v20  }
0x124: {  	(xrf0) =	vadd.scan.msk.s32 $0xffff, v52;
	_ =	sdelay $0x4  }
0x125: {  	v23 =	vperm.xlane v23, v3;
	v53, _, _ =	vpop (xrf0)  }
0x126: {  	v54, _, _ =	vpop (xrf0)  }
0x127: {  	v23 =	vadd.s32 v23, v54  }
0x128: {  	v25 =	vadd.s32 $0xFFFFFE00, v23  }
0x129: {  	v21 =	vmul.u32 v52, v25;
	_ =	sdelay $0x1  }
0x12a: {  	v22 =	vperm.xlane v22, v3;
	v21 =	vadd.s32 $0x1FF, v21;
	_ =	sdelay $0x1  }
0x12b: {  	v22 =	vadd.s32 v22, v53  }
0x12c: {  	v20 =	vsub.s32 v22, v20  }
0x12d: {  	vm9 =	vlt.s32 v20, $0x70  }
0x12e: {  	v20 =	vnsel vm9, $0x70, v20;
	[tilespmem:v21+s21+$0x0] =	vst.idx.msk $0xffff, v15  }
0x12f: {  	[tilespmem:v21+s20+$0x0] =	vst.idx.msk $0xffff, v20  }
0x130: {  	v20 =	vld [tilespmem:s22+$0x10D0];
	_ =	sdelay $0x4  }
0x131: {  	vm10 =	vlt.s32 v20, $0x1  }
0x132: {  	(xrf0) =	vadd.scan.msk.s32 $0xffff, v20;
	v55 =	vnsel vm10, $0x1, v20  }
0x133: {  	(xrf0) =	vadd.scan.msk.s32 $0xffff, v55;
	_ =	sdelay $0x4  }
0x134: {  	v23 =	vperm.xlane v23, v3;
	v56, _, _ =	vpop (xrf0)  }
0x135: {  	v57, _, _ =	vpop (xrf0)  }
0x136: {  	v23 =	vadd.s32 v23, v57  }
0x137: {  	v25 =	vadd.s32 $0xFFFFFE00, v23  }
0x138: {  	v21 =	vmul.u32 v55, v25;
	_ =	sdelay $0x1  }
0x139: {  	v22 =	vperm.xlane v22, v3;
	v21 =	vadd.s32 $0x1FF, v21;
	_ =	sdelay $0x1  }
0x13a: {  	v22 =	vadd.s32 v22, v56  }
0x13b: {  	v20 =	vsub.s32 v22, v20  }
0x13c: {  	vm11 =	vlt.s32 v20, $0x70  }
0x13d: {  	v20 =	vnsel vm11, $0x70, v20;
	[tilespmem:v21+s21+$0x0] =	vst.idx.msk $0xffff, v16  }
0x13e: {  	[tilespmem:v21+s20+$0x0] =	vst.idx.msk $0xffff, v20  }
0x13f: {  	v20 =	vld [tilespmem:s22+$0x10E0];
	_ =	sdelay $0x4  }
0x140: {  	vm12 =	vlt.s32 v20, $0x1  }
0x141: {  	(xrf0) =	vadd.scan.msk.s32 $0xffff, v20;
	v58 =	vnsel vm12, $0x1, v20  }
0x142: {  	(xrf0) =	vadd.scan.msk.s32 $0xffff, v58;
	_ =	sdelay $0x4  }
0x143: {  	v23 =	vperm.xlane v23, v3;
	v59, _, _ =	vpop (xrf0)  }
0x144: {  	v60, _, _ =	vpop (xrf0)  }
0x145: {  	v23 =	vadd.s32 v23, v60  }
0x146: {  	v25 =	vadd.s32 $0xFFFFFE00, v23  }
0x147: {  	v21 =	vmul.u32 v58, v25;
	_ =	sdelay $0x1  }
0x148: {  	v22 =	vperm.xlane v22, v3;
	v21 =	vadd.s32 $0x1FF, v21;
	_ =	sdelay $0x1  }
0x149: {  	v22 =	vadd.s32 v22, v59  }
0x14a: {  	v20 =	vsub.s32 v22, v20  }
0x14b: {  	vm13 =	vlt.s32 v20, $0x70  }
0x14c: {  	v20 =	vnsel vm13, $0x70, v20;
	[tilespmem:v21+s21+$0x0] =	vst.idx.msk $0xffff, v17  }
0x14d: {  	[tilespmem:v21+s20+$0x0] =	vst.idx.msk $0xffff, v20  }
0x14e: {  	v20 =	vld [tilespmem:s22+$0x10F0];
	_ =	sdelay $0x4  }
0x14f: {  	vm14 =	vlt.s32 v20, $0x1  }
0x150: {  	(xrf0) =	vadd.scan.msk.s32 $0xffff, v20;
	v61 =	vnsel vm14, $0x1, v20  }
0x151: {  	(xrf0) =	vadd.scan.msk.s32 $0xffff, v61;
	_ =	sdelay $0x4  }
0x152: {  	v23 =	vperm.xlane v23, v3;
	v62, _, _ =	vpop (xrf0)  }
0x153: {  	v63, _, _ =	vpop (xrf0)  }
0x154: {  	v23 =	vadd.s32 v23, v63  }
0x155: {  	v25 =	vperm.xlane v23, v3;
	_ =	sdelay $0x1  }
0x156: {  	(v2sf) =	vpush v25, $0x0;
	_ =	sdelay $0xb  }
0x157: {  	v23 =	vadd.s32 $0xFFFFFE00, v23  }
0x158: {  	v21 =	vmul.u32 v61, v23;
	_ =	sdelay $0x1  }
0x159: {  	v22 =	vperm.xlane v22, v3;
	v21 =	vadd.s32 $0x1FF, v21;
	s22 =	spop (v2sf)  }
0x15a: {  	p0 =	slt.s32 s22, $0x1  }
.Ltmp4:
0x15b: {  	v20 =	vsub.s32 v22, v20;
	(pc) =	sbr.rel @p0 .LBB2_6-.Ltmp4, $4  }
0x15c: {  	v20 =	vadd.s32 v62, v20  }
0x15d: {  	vm15 =	vlt.s32 v20, $0x70  }
0x15e: {  	v20 =	vnsel vm15, $0x70, v20;
	[tilespmem:v21+s21+$0x0] =	vst.idx.msk $0xffff, v18  }
0x15f: {  	[tilespmem:v21+s20+$0x0] =	vst.idx.msk $0xffff, v20  }
0x160: {  	p0 =	sne.s32 s22, $0x1  }
.Ltmp5:
0x161: {  	v20 =	vld [tilespmem:s21+$0x0];
	(pc) =	sbr.rel @!p0 .LBB2_5-.Ltmp5, $2  }
0x162: {  	_ =	sdelay $0x2  }
0x163: {  	s22 =	sadd.s32 $0xFFFFFFFF, s22  }
.LBB2_4:
0x164: {  	p0 =	sne.s32 s22, $0x1;
	v21 =	vld [tilespmem:s20+$0x0];
	_ =	sdelay $0x3  }
0x165: {  	(v2sf) =	vpush v20, $0x0;
	_ =	sdelay $0xe  }
0x166: {  	s23 =	spop (v2sf)  }
0x167: {  	s23 =	sshll.u32 s23, $0x4  }
0x168: {  	v20 =	vld [tilespmem:s23+$0x0];
	_ =	sdelay $0x4  }
0x169: {  	v22 =	vsub.f32 $2.500000000e+01, v20;
	_ =	sdelay $0x1  }
0x16a: {  	v23 =	vand.u32 $0x80000000, v22;
	vm0 =	vlt.f32 v22, $0.0e+00;
	vm1 =	vgt.f32 v22, $0.0e+00  }
0x16b: {  	v23 =	vor.u32 v23, v19;
	vm0 =	vmor vm1, vm0  }
0x16c: {  	v22 =	vsel vm0, v23, v22  }
0x16d: {  	v22 =	vmax.f32 v22, $0.0e+00  }
0x16e: {  	v22 =	vtrunc.f32 v22  }
0x16f: {  	v22 =	vcvt.f32.s32 v22;
	_ =	sdelay $0x1  }
0x170: {  	(xrf0) =	vadd.scan.msk.s32 $0xffff, v22;
	_ =	sdelay $0x3  }
0x171: {  	v21 =	vadd.s32 $0xFFFFFF00, v21  }
0x172: {  	v21 =	vbroadcast v21, $0x0  }
0x173: {  	v23, _, _ =	vpop (xrf0)  }
0x174: {  	v21 =	vadd.s32 v23, v21  }
0x175: {  	v21 =	vmul.u32 v22, v21;
	_ =	sdelay $0x1  }
0x176: {  	v21 =	vadd.s32 $0xFF, v21;
	_ =	sdelay $0x4  }
0x177: {  	[tilespmem:v21+s14+$0x0] =	vst.idx.msk $0xffff, v20  }
0x178: {  	v20 =	vld [tilespmem:s23+$0x9000];
	_ =	sdelay $0x1  }
.Ltmp6:
0x179: {  	(pc) =	sbr.rel @p0 .LBB2_4-.Ltmp6, $3  }
0x17a: {  	_ =	sdelay $0x1  }
0x17b: {  	s21 =	sadd.s32 $0x1, s21;
	[tilespmem:v21+s15+$0x0] =	vst.idx.msk $0xffff, v20  }
0x17c: {  	s22 =	sadd.s32 $0xFFFFFFFF, s22;
	s20 =	sadd.s32 $0x1, s20;
	v20 =	vld [tilespmem:s21+$0x0]  }
.Ltmp7:
0x17d: {  	_ = 	snop;
	(pc) =	sbr.rel .LBB2_5-.Ltmp7, $1  }
0x17e: {  	_ =	sdelay $0x3  }
.LBB2_8:
0x17f: {  	_ =	sfence.sel $0x180000  }
0x180: {  	[bflag:$0x0] =	sbarrier.arrive $0xFFFF  }
0x181: {  	p0 =	sne.s32 s0, $0x0;
	_ =	strace $0x90000047  }
0x182: {  	s0 =	sadd.s32 @!p0 $0x100000, s1;
	[bflag:$0x2] =	sbarrier.arrive $0xFFFF  }
0x183: {  	[sflag:s0] =	ssyncadd.tile.s32 @!p0 $0x1;
	_ =	shalt  }
.Lfunc_end2:
_tile_overlayer_lowered:
.L_overlay_start_2:
0x184: {  	(tag) =	ssettag $0x2  }
0x185: {  	s0 =	rddreg [dreg:$0x0];
	s2 =	stileid.u32  }
0x186: {  	s1 =	rddreg [dreg:$0x1];
	p0 =	sne.s32 s2, $0x0  }
0x187: {  	s3 =	rddreg [dreg:$0x2];
	[bflag:$0x3] =	sbarrier.arrive $0xFFFF;
	s2 =	simm.s32 @!p0 $0x1C01  }
0x188: {  	[timem:s3], [sflag:s2] =	dma.local @!p0 [hbm:s0], s1  }
0x189: {  	s0 =	simm.s32 @!p0 $0x1  }
0x18a: {  	_ =	swait.ge @!p0 [sflag:s0], s1  }
0x18b: {  	s1 =	ssub.s32 @!p0 $0x0, s1;
	[sflag:s0] =	ssyncset.done @!p0 $0x0  }
0x18c: {  	[sflag:s0] =	ssyncadd.s32 @!p0 s1  }
0x18d: {  	[bflag:$0x3] =	sbarrier.arrive $0xFFFF  }
0x18e: {  	_ =	shalt  }

</sc_bundles>
